<compile_context>
chip_gen: v7x
topology: tpu7x:2x2x1
jax: 0.10.2.dev20260603
libtpu: 0.0.44.dev20260713+nightly
codegen_flags: <defaults>
</compile_context>

<pallas_src>
import functools

import jax
import jax.numpy as jnp
from jax import lax
from jax.experimental import pallas as pl
from jax.experimental.pallas import tpu as pltpu
from jax.experimental.pallas import tpu_sc as plsc

_BLK = 4096
_BUCKETS = 256
_KEEP = 4
_NUM_CLASSES = 10
_TOPK = 9
_BIG = 1e30


def _cpr_full(da, pa, db, pb):
    s = da < db
    return (jnp.minimum(da, db), jnp.where(s, pa, pb),
            jnp.maximum(da, db), jnp.where(s, pb, pa))


def _cpr_min(da, pa, db, pb):
    s = da < db
    return jnp.minimum(da, db), jnp.where(s, pa, pb)


def _knn_body(nb, q, xt_ref, xa_ref, qs_ref, ks_ref, ki_ref, sd_ref, sp_ref):
    k = pl.program_id(0)

    @pl.when(k == 0)
    def _init():
        sd_ref[...] = jnp.full(sd_ref.shape, _BIG, jnp.float32)
        sp_ref[...] = jnp.zeros(sp_ref.shape, jnp.float32)

    p = jax.lax.dot_general(
        xt_ref[...], xa_ref[...],
        (((1,), (1,)), ((), ())),
        preferred_element_type=jnp.float32)
    d = (qs_ref[...] + ks_ref[0]) - 2.0 * p
    y = (jax.lax.broadcasted_iota(jnp.int32, (1, _BLK), 1)
         + k * _BLK).astype(jnp.float32)

    h = _BLK // 2
    s = d[:, :h] < d[:, h:]
    lo = jnp.minimum(d[:, :h], d[:, h:])
    hi = jnp.maximum(d[:, :h], d[:, h:])
    plo = jnp.where(s, y[:, :h], y[:, h:])
    phi = jnp.where(s, y[:, h:], y[:, :h])

    h2 = h // 2
    a1, pa1, a2, pa2 = lo[:, :h2], plo[:, :h2], hi[:, :h2], phi[:, :h2]
    b1, pb1, b2, pb2 = lo[:, h2:], plo[:, h2:], hi[:, h2:], phi[:, h2:]
    m1, q1, M1, Q1 = _cpr_full(a1, pa1, b1, pb1)
    m2, q2 = _cpr_min(a2, pa2, b2, pb2)
    t2, u2 = _cpr_min(M1, Q1, m2, q2)

    g1, r1, g2, r2 = m1, q1, t2, u2
    hh = h2
    while hh > _BUCKETS:
        hh //= 2
        a1, pa1, a2, pa2 = g1[:, :hh], r1[:, :hh], g2[:, :hh], r2[:, :hh]
        b1, pb1, b2, pb2 = g1[:, hh:], r1[:, hh:], g2[:, hh:], r2[:, hh:]
        g1, r1, M1, Q1 = _cpr_full(a1, pa1, b1, pb1)
        m2, q2 = _cpr_min(a2, pa2, b2, pb2)
        g2, r2 = _cpr_min(M1, Q1, m2, q2)

    s1, t1 = sd_ref[0], sp_ref[0]
    s2, t2_ = sd_ref[1], sp_ref[1]
    s3, t3 = sd_ref[2], sp_ref[2]
    s4, t4 = sd_ref[3], sp_ref[3]
    v3, w3 = _cpr_min(s3, t3, g2, r2)
    v4, w4 = _cpr_min(s4, t4, g1, r1)
    x1, y1, x3, y3 = _cpr_full(s1, t1, v3, w3)
    x2, y2, x4, y4 = _cpr_full(s2, t2_, v4, w4)
    x1, y1, x2, y2 = _cpr_full(x1, y1, x2, y2)
    x3, y3, x4, y4 = _cpr_full(x3, y3, x4, y4)
    sd_ref[0], sp_ref[0] = x1, y1
    sd_ref[1], sp_ref[1] = x2, y2
    sd_ref[2], sp_ref[2] = x3, y3
    sd_ref[3], sp_ref[3] = x4, y4

    @pl.when(k == nb - 1)
    def _epilogue():
        cand = jnp.concatenate([sd_ref[i] for i in range(_KEEP)], axis=1)
        candp = jnp.concatenate([sp_ref[i] for i in range(_KEEP)], axis=1)
        w = _KEEP * _BUCKETS
        colidx = jax.lax.broadcasted_iota(jnp.int32, (q, w), 1)
        slot = jax.lax.broadcasted_iota(jnp.int32, (q, 16), 1)
        kimat = jnp.zeros((q, 16), jnp.int32)
        for r in range(_TOPK):
            m = jnp.min(cand, axis=1, keepdims=True)
            sel = jnp.where(cand == m, colidx, jnp.int32(2**30))
            amin = jnp.min(sel, axis=1, keepdims=True)
            first = colidx == amin
            ki = jnp.min(jnp.where(first, candp, _BIG), axis=1, keepdims=True)
            kimat = jnp.where(slot == r, ki.astype(jnp.int32), kimat)
            cand = jnp.where(first, _BIG, cand)
        ki_ref[...] = kimat


def kernel(X_train, y_train, X_test):
    K, D = X_train.shape
    Q = X_test.shape[0]
    nb = pl.cdiv(K, _BLK)
    Kp = nb * _BLK

    q_sq = jnp.sum(X_test * X_test, axis=1, keepdims=True)
    k_sq = jnp.sum(X_train * X_train, axis=1)
    ksf = jnp.pad(k_sq, (0, Kp - K), constant_values=_BIG).reshape(nb, 1, _BLK)

    body = functools.partial(_knn_body, nb, Q)
    kidx = pl.pallas_call(
        body,
        grid=(nb,),
        in_specs=[
            pl.BlockSpec((Q, D), lambda k: (0, 0)),
            pl.BlockSpec((_BLK, D), lambda k: (k, 0)),
            pl.BlockSpec((Q, 1), lambda k: (0, 0)),
            pl.BlockSpec((1, 1, _BLK), lambda k: (k, 0, 0)),
        ],
        out_specs=pl.BlockSpec((Q, 16), lambda k: (0, 0)),
        out_shape=jax.ShapeDtypeStruct((Q, 16), jnp.int32),
        scratch_shapes=[
            pltpu.VMEM((_KEEP, Q, _BUCKETS), jnp.float32),
            pltpu.VMEM((_KEEP, Q, _BUCKETS), jnp.float32),
        ],
        compiler_params=pltpu.CompilerParams(
            dimension_semantics=("arbitrary",),
            vmem_limit_bytes=100 * 1024 * 1024),
    )(X_test, X_train, q_sq, ksf)
    klab = _sc_gather(kidx.reshape(Q * 16), y_train)
    return _tc_vote(klab.reshape(Q, 16))


def _sc_gather(kidx, y_train):
    N = kidx.shape[0]
    info = plsc.get_sparse_core_info()
    NW = info.num_cores * info.num_subcores
    npw = N // NW
    mesh = plsc.VectorSubcoreMesh(core_axis_name="c", subcore_axis_name="s")

    @functools.partial(
        pl.kernel, mesh=mesh,
        out_type=jax.ShapeDtypeStruct((N,), jnp.int32),
        scratch_types=[
            pltpu.VMEM((npw,), jnp.int32),
            pltpu.VMEM((npw,), jnp.int32),
            pltpu.SemaphoreType.DMA,
        ],
    )
    def k(ki_hbm, y_hbm, out_hbm, ki_v, lab_v, sem):
        wid = lax.axis_index("s") * info.num_cores + lax.axis_index("c")
        base = wid * npw
        pltpu.sync_copy(ki_hbm.at[pl.ds(base, npw)], ki_v)
        pltpu.async_copy(y_hbm.at[ki_v], lab_v, sem).wait()
        pltpu.sync_copy(lab_v, out_hbm.at[pl.ds(base, npw)])

    return k(kidx, y_train)


def _tc_vote_body(lab_ref, out_ref):
    lab = lab_ref[...]
    q = lab.shape[0]
    counts = jnp.zeros((q, 16), jnp.int32)
    slot = jax.lax.broadcasted_iota(jnp.int32, (q, 16), 1)
    for j in range(_TOPK):
        counts = counts + (slot == lab[:, j:j + 1]).astype(jnp.int32)
    best = counts[:, 0:1]
    besti = jnp.zeros((q, 1), jnp.int32)
    for c in range(1, _NUM_CLASSES):
        cc = counts[:, c:c + 1]
        upd = cc > best
        besti = jnp.where(upd, jnp.int32(c), besti)
        best = jnp.where(upd, cc, best)
    out_ref[...] = besti


def _tc_vote(klab):
    Q = klab.shape[0]
    pred = pl.pallas_call(
        _tc_vote_body,
        out_shape=jax.ShapeDtypeStruct((Q, 1), jnp.int32),
    )(klab)
    return pred.reshape(Q)

# --- scband reference (transcript-rebuilt; emitter-appended) ---
"""Pipeline reference for scband-knn-74577812127972 (READ-ONLY COPY).

The authoritative reference and input builder live on the scoring server;
editing this copy changes nothing except your own understanding.
"""

import jax, jax.numpy as jnp
import numpy as np

K_NEIGHBORS = 9
NUM_CLASSES = 10

def setup_inputs(seed: int = 0) -> dict:
    key = jax.random.key(seed)
    k1, k2, k3 = jax.random.split(key, 3)
    X_train = jax.random.normal(k1, (100000, 128), dtype=jnp.float32)
    y_train = jax.random.randint(k2, (100000,), 0, 10).astype(jnp.int32)
    X_test = jax.random.normal(k3, (1024, 128), dtype=jnp.float32)
    return {"X_train": X_train, "y_train": y_train, "X_test": X_test}

def reference(X_train, y_train, X_test):
    # Pairwise Euclidean distances (same math as tf.norm(X_train - test_point, axis=1)
    # per test point, batched via the expansion ||x - y||^2 = ||x||^2 + ||y||^2 - 2 x.y)
    q_sq = jnp.sum(X_test * X_test, axis=1, keepdims=True)          # [Q, 1]
    k_sq = jnp.sum(X_train * X_train, axis=1)[None, :]              # [1, K]
    sq_dists = q_sq + k_sq - 2.0 * (X_test @ X_train.T)             # [Q, K]
    dists = jnp.sqrt(jnp.maximum(sq_dists, 0.0))
    # k nearest neighbors (smallest distances) == tf.argsort(distances)[:k]
    neg_top_vals, k_indices = jax.lax.top_k(-dists, K_NEIGHBORS)    # [Q, k]
    # gather labels == tf.gather(y_train, k_indices)
    k_labels = jnp.take(y_train, k_indices, axis=0)                 # [Q, k]
    # majority vote == unique_with_counts + argmax over counts
    counts = jnp.sum(jax.nn.one_hot(k_labels, NUM_CLASSES, dtype=jnp.float32), axis=1)  # [Q, C]
    predictions = jnp.argmax(counts, axis=1).astype(jnp.int32)      # [Q]
    return predictions

if __name__ == "__main__":
    import jax
    _d = setup_inputs()
    print(jax.jit(kernel)(*tuple(_d.values())))

</pallas_src>

<mosaic_0001>
#map = affine_map<(d0, d1) -> (0)>
module attributes {stable_mosaic.version = 14 : i64} {
  func.func @k(%arg0: i32, %arg1: i32, %arg2: memref<16384xi32, #tpu.memory_space<hbm>>, %arg3: memref<100000xi32, #tpu.memory_space<hbm>>, %arg4: memref<16384xi32, #tpu.memory_space<hbm>>, %arg5: memref<512xi32, #tpu.memory_space<vmem>>, %arg6: memref<512xi32, #tpu.memory_space<vmem>>, %arg7: memref<!tpu.dma_semaphore, #tpu.memory_space<semaphore_mem>>) attributes {dimension_semantics = [#tpu.dimension_semantics<core_parallel>, #tpu.dimension_semantics<subcore_parallel>], iteration_bounds = array<i64: 2, 16>, scalar_prefetch = 0 : i64, scratch_operands = 3 : i64, tpu.core_type = #tpu.core_type<sc_vector_subcore>, window_params = [{transform_indices = #map}, {transform_indices = #map}, {transform_indices = #map}]} {
    %mul3A = arith.constant 2 : i32
    %mul3A_0 = arith.muli %arg1, %mul3A : i32
    %add3A = arith.addi %mul3A_0, %arg0 : i32
    %mul3A_1 = arith.constant 512 : i32
    %mul3A_2 = arith.muli %add3A, %mul3A_1 : i32
    "tpu.region"() ({
      %run_scoped3A = tpu.sem_alloc : memref<!tpu.dma_semaphore, #tpu.memory_space<semaphore_mem>>
      %dma_start3A_5 = tpu.memref_slice %arg2[%mul3A_2] : memref<16384xi32, #tpu.memory_space<hbm>> -> memref<512xi32, #tpu.memory_space<hbm>>
      %dma_start3A_6 = tpu.memref_slice %arg2[%mul3A_2] : memref<16384xi32, #tpu.memory_space<hbm>> -> memref<512xi32, #tpu.memory_space<hbm>>
      tpu.enqueue_dma source(%dma_start3A_6 : memref<512xi32, #tpu.memory_space<hbm>>) target(%arg5 : memref<512xi32, #tpu.memory_space<vmem>>) target_semaphore(%run_scoped3A : memref<!tpu.dma_semaphore, #tpu.memory_space<semaphore_mem>>)
      %dma_wait3A_7 = tpu.memref_slice %arg2[%mul3A_2] : memref<16384xi32, #tpu.memory_space<hbm>> -> memref<512xi32, #tpu.memory_space<hbm>>
      %dma_wait3A_8 = tpu.memref_slice %arg2[%mul3A_2] : memref<16384xi32, #tpu.memory_space<hbm>> -> memref<512xi32, #tpu.memory_space<hbm>>
      tpu.wait_dma2 semaphore(%run_scoped3A : memref<!tpu.dma_semaphore, #tpu.memory_space<semaphore_mem>>) src(%dma_wait3A_8 : memref<512xi32, #tpu.memory_space<hbm>>) dst(%arg5 : memref<512xi32, #tpu.memory_space<vmem>>)
      tpu.yield
    }) : () -> ()
    %dma_start3A = arith.constant 0 : i32
    %dma_start3A_3 = tpu.memref_slice %arg3[%dma_start3A] : memref<100000xi32, #tpu.memory_space<hbm>> -> memref<100000xi32, #tpu.memory_space<hbm>>
    tpu.enqueue_indirect_dma source(%dma_start3A_3 : memref<100000xi32, #tpu.memory_space<hbm>>) target(%arg6 : memref<512xi32, #tpu.memory_space<vmem>>) offsets(%arg5 : memref<512xi32, #tpu.memory_space<vmem>>) semaphore(%arg7 : memref<!tpu.dma_semaphore, #tpu.memory_space<semaphore_mem>>)
    %dma_wait3A = arith.constant 0 : i32
    %dma_wait3A_4 = tpu.memref_slice %arg3[%dma_wait3A] : memref<100000xi32, #tpu.memory_space<hbm>> -> memref<100000xi32, #tpu.memory_space<hbm>>
    tpu.wait_indirect_dma semaphore(%arg7 : memref<!tpu.dma_semaphore, #tpu.memory_space<semaphore_mem>>) src(%dma_wait3A_4 : memref<100000xi32, #tpu.memory_space<hbm>>) dst(%arg6 : memref<512xi32, #tpu.memory_space<vmem>>)
    "tpu.region"() ({
      %run_scoped3A = tpu.sem_alloc : memref<!tpu.dma_semaphore, #tpu.memory_space<semaphore_mem>>
      %dma_start3A_5 = tpu.memref_slice %arg4[%mul3A_2] : memref<16384xi32, #tpu.memory_space<hbm>> -> memref<512xi32, #tpu.memory_space<hbm>>
      %dma_start3A_6 = tpu.memref_slice %arg4[%mul3A_2] : memref<16384xi32, #tpu.memory_space<hbm>> -> memref<512xi32, #tpu.memory_space<hbm>>
      tpu.enqueue_dma source(%arg6 : memref<512xi32, #tpu.memory_space<vmem>>) target(%dma_start3A_6 : memref<512xi32, #tpu.memory_space<hbm>>) target_semaphore(%run_scoped3A : memref<!tpu.dma_semaphore, #tpu.memory_space<semaphore_mem>>)
      %dma_wait3A_7 = tpu.memref_slice %arg4[%mul3A_2] : memref<16384xi32, #tpu.memory_space<hbm>> -> memref<512xi32, #tpu.memory_space<hbm>>
      %dma_wait3A_8 = tpu.memref_slice %arg4[%mul3A_2] : memref<16384xi32, #tpu.memory_space<hbm>> -> memref<512xi32, #tpu.memory_space<hbm>>
      tpu.wait_dma2 semaphore(%run_scoped3A : memref<!tpu.dma_semaphore, #tpu.memory_space<semaphore_mem>>) src(%arg6 : memref<512xi32, #tpu.memory_space<vmem>>) dst(%dma_wait3A_8 : memref<512xi32, #tpu.memory_space<hbm>>)
      tpu.yield
    }) : () -> ()
    return
  }
}

module attributes {stable_mosaic.version = 14 : i64} {
  func.func @_tc_vote_body(%arg0: memref<1024x16xi32, #tpu.memory_space<vmem>>, %arg1: memref<1024x1xi32, #tpu.memory_space<vmem>>) attributes {dimension_semantics = [], scalar_prefetch = 0 : i64, scratch_operands = 0 : i64, tpu.core_type = #tpu.core_type<tc>} {
    %get3A = arith.constant 0 : index
    %get3A_0 = arith.constant 0 : index
    %get3A_1 = vector.load %arg0[%get3A, %get3A_0] : memref<1024x16xi32, #tpu.memory_space<vmem>>, vector<1024x16xi32>
    %broadcast_in_dim3A = arith.constant 0 : i32
    %broadcast_in_dim3A_2 = vector.broadcast %broadcast_in_dim3A : i32 to vector<1024x16xi32>
    %iota3A = tpu.iota {dimensions = array<i32: 1>} : vector<1024x16xi32>
    %slice3A = vector.extract_strided_slice %get3A_1 {offsets = [0, 0], sizes = [1024, 1], strides = [1, 1]} : vector<1024x16xi32> to vector<1024x1xi32>
    %eq3A = vector.broadcast %slice3A : vector<1024x1xi32> to vector<1024x16xi32>
    %eq3A_3 = arith.cmpi eq, %iota3A, %eq3A : vector<1024x16xi32>
    %convert_element_type3A = arith.extui %eq3A_3 : vector<1024x16xi1> to vector<1024x16xi32>
    %add3A = arith.addi %broadcast_in_dim3A_2, %convert_element_type3A : vector<1024x16xi32>
    %slice3A_4 = vector.extract_strided_slice %get3A_1 {offsets = [0, 1], sizes = [1024, 1], strides = [1, 1]} : vector<1024x16xi32> to vector<1024x1xi32>
    %eq3A_5 = vector.broadcast %slice3A_4 : vector<1024x1xi32> to vector<1024x16xi32>
    %eq3A_6 = arith.cmpi eq, %iota3A, %eq3A_5 : vector<1024x16xi32>
    %convert_element_type3A_7 = arith.extui %eq3A_6 : vector<1024x16xi1> to vector<1024x16xi32>
    %add3A_8 = arith.addi %add3A, %convert_element_type3A_7 : vector<1024x16xi32>
    %slice3A_9 = vector.extract_strided_slice %get3A_1 {offsets = [0, 2], sizes = [1024, 1], strides = [1, 1]} : vector<1024x16xi32> to vector<1024x1xi32>
    %eq3A_10 = vector.broadcast %slice3A_9 : vector<1024x1xi32> to vector<1024x16xi32>
    %eq3A_11 = arith.cmpi eq, %iota3A, %eq3A_10 : vector<1024x16xi32>
    %convert_element_type3A_12 = arith.extui %eq3A_11 : vector<1024x16xi1> to vector<1024x16xi32>
    %add3A_13 = arith.addi %add3A_8, %convert_element_type3A_12 : vector<1024x16xi32>
    %slice3A_14 = vector.extract_strided_slice %get3A_1 {offsets = [0, 3], sizes = [1024, 1], strides = [1, 1]} : vector<1024x16xi32> to vector<1024x1xi32>
    %eq3A_15 = vector.broadcast %slice3A_14 : vector<1024x1xi32> to vector<1024x16xi32>
    %eq3A_16 = arith.cmpi eq, %iota3A, %eq3A_15 : vector<1024x16xi32>
    %convert_element_type3A_17 = arith.extui %eq3A_16 : vector<1024x16xi1> to vector<1024x16xi32>
    %add3A_18 = arith.addi %add3A_13, %convert_element_type3A_17 : vector<1024x16xi32>
    %slice3A_19 = vector.extract_strided_slice %get3A_1 {offsets = [0, 4], sizes = [1024, 1], strides = [1, 1]} : vector<1024x16xi32> to vector<1024x1xi32>
    %eq3A_20 = vector.broadcast %slice3A_19 : vector<1024x1xi32> to vector<1024x16xi32>
    %eq3A_21 = arith.cmpi eq, %iota3A, %eq3A_20 : vector<1024x16xi32>
    %convert_element_type3A_22 = arith.extui %eq3A_21 : vector<1024x16xi1> to vector<1024x16xi32>
    %add3A_23 = arith.addi %add3A_18, %convert_element_type3A_22 : vector<1024x16xi32>
    %slice3A_24 = vector.extract_strided_slice %get3A_1 {offsets = [0, 5], sizes = [1024, 1], strides = [1, 1]} : vector<1024x16xi32> to vector<1024x1xi32>
    %eq3A_25 = vector.broadcast %slice3A_24 : vector<1024x1xi32> to vector<1024x16xi32>
    %eq3A_26 = arith.cmpi eq, %iota3A, %eq3A_25 : vector<1024x16xi32>
    %convert_element_type3A_27 = arith.extui %eq3A_26 : vector<1024x16xi1> to vector<1024x16xi32>
    %add3A_28 = arith.addi %add3A_23, %convert_element_type3A_27 : vector<1024x16xi32>
    %slice3A_29 = vector.extract_strided_slice %get3A_1 {offsets = [0, 6], sizes = [1024, 1], strides = [1, 1]} : vector<1024x16xi32> to vector<1024x1xi32>
    %eq3A_30 = vector.broadcast %slice3A_29 : vector<1024x1xi32> to vector<1024x16xi32>
    %eq3A_31 = arith.cmpi eq, %iota3A, %eq3A_30 : vector<1024x16xi32>
    %convert_element_type3A_32 = arith.extui %eq3A_31 : vector<1024x16xi1> to vector<1024x16xi32>
    %add3A_33 = arith.addi %add3A_28, %convert_element_type3A_32 : vector<1024x16xi32>
    %slice3A_34 = vector.extract_strided_slice %get3A_1 {offsets = [0, 7], sizes = [1024, 1], strides = [1, 1]} : vector<1024x16xi32> to vector<1024x1xi32>
    %eq3A_35 = vector.broadcast %slice3A_34 : vector<1024x1xi32> to vector<1024x16xi32>
    %eq3A_36 = arith.cmpi eq, %iota3A, %eq3A_35 : vector<1024x16xi32>
    %convert_element_type3A_37 = arith.extui %eq3A_36 : vector<1024x16xi1> to vector<1024x16xi32>
    %add3A_38 = arith.addi %add3A_33, %convert_element_type3A_37 : vector<1024x16xi32>
    %slice3A_39 = vector.extract_strided_slice %get3A_1 {offsets = [0, 8], sizes = [1024, 1], strides = [1, 1]} : vector<1024x16xi32> to vector<1024x1xi32>
    %eq3A_40 = vector.broadcast %slice3A_39 : vector<1024x1xi32> to vector<1024x16xi32>
    %eq3A_41 = arith.cmpi eq, %iota3A, %eq3A_40 : vector<1024x16xi32>
    %convert_element_type3A_42 = arith.extui %eq3A_41 : vector<1024x16xi1> to vector<1024x16xi32>
    %add3A_43 = arith.addi %add3A_38, %convert_element_type3A_42 : vector<1024x16xi32>
    %slice3A_44 = vector.extract_strided_slice %add3A_43 {offsets = [0, 0], sizes = [1024, 1], strides = [1, 1]} : vector<1024x16xi32> to vector<1024x1xi32>
    %broadcast_in_dim3A_45 = arith.constant 0 : i32
    %broadcast_in_dim3A_46 = vector.broadcast %broadcast_in_dim3A_45 : i32 to vector<1024x1xi32>
    %slice3A_47 = vector.extract_strided_slice %add3A_43 {offsets = [0, 1], sizes = [1024, 1], strides = [1, 1]} : vector<1024x16xi32> to vector<1024x1xi32>
    %gt3A = arith.cmpi sgt, %slice3A_47, %slice3A_44 : vector<1024x1xi32>
    %jit3A = arith.constant 1 : i32
    %broadcast_in_dim3A_48 = vector.broadcast %jit3A : i32 to vector<1024x1xi32>
    %select_n3A = arith.select %gt3A, %broadcast_in_dim3A_48, %broadcast_in_dim3A_46 : vector<1024x1xi1>, vector<1024x1xi32>
    %select_n3A_49 = arith.select %gt3A, %slice3A_47, %slice3A_44 : vector<1024x1xi1>, vector<1024x1xi32>
    %slice3A_50 = vector.extract_strided_slice %add3A_43 {offsets = [0, 2], sizes = [1024, 1], strides = [1, 1]} : vector<1024x16xi32> to vector<1024x1xi32>
    %gt3A_51 = arith.cmpi sgt, %slice3A_50, %select_n3A_49 : vector<1024x1xi32>
    %jit3A_52 = arith.constant 2 : i32
    %broadcast_in_dim3A_53 = vector.broadcast %jit3A_52 : i32 to vector<1024x1xi32>
    %select_n3A_54 = arith.select %gt3A_51, %broadcast_in_dim3A_53, %select_n3A : vector<1024x1xi1>, vector<1024x1xi32>
    %select_n3A_55 = arith.select %gt3A_51, %slice3A_50, %select_n3A_49 : vector<1024x1xi1>, vector<1024x1xi32>
    %slice3A_56 = vector.extract_strided_slice %add3A_43 {offsets = [0, 3], sizes = [1024, 1], strides = [1, 1]} : vector<1024x16xi32> to vector<1024x1xi32>
    %gt3A_57 = arith.cmpi sgt, %slice3A_56, %select_n3A_55 : vector<1024x1xi32>
    %jit3A_58 = arith.constant 3 : i32
    %broadcast_in_dim3A_59 = vector.broadcast %jit3A_58 : i32 to vector<1024x1xi32>
    %select_n3A_60 = arith.select %gt3A_57, %broadcast_in_dim3A_59, %select_n3A_54 : vector<1024x1xi1>, vector<1024x1xi32>
    %select_n3A_61 = arith.select %gt3A_57, %slice3A_56, %select_n3A_55 : vector<1024x1xi1>, vector<1024x1xi32>
    %slice3A_62 = vector.extract_strided_slice %add3A_43 {offsets = [0, 4], sizes = [1024, 1], strides = [1, 1]} : vector<1024x16xi32> to vector<1024x1xi32>
    %gt3A_63 = arith.cmpi sgt, %slice3A_62, %select_n3A_61 : vector<1024x1xi32>
    %jit3A_64 = arith.constant 4 : i32
    %broadcast_in_dim3A_65 = vector.broadcast %jit3A_64 : i32 to vector<1024x1xi32>
    %select_n3A_66 = arith.select %gt3A_63, %broadcast_in_dim3A_65, %select_n3A_60 : vector<1024x1xi1>, vector<1024x1xi32>
    %select_n3A_67 = arith.select %gt3A_63, %slice3A_62, %select_n3A_61 : vector<1024x1xi1>, vector<1024x1xi32>
    %slice3A_68 = vector.extract_strided_slice %add3A_43 {offsets = [0, 5], sizes = [1024, 1], strides = [1, 1]} : vector<1024x16xi32> to vector<1024x1xi32>
    %gt3A_69 = arith.cmpi sgt, %slice3A_68, %select_n3A_67 : vector<1024x1xi32>
    %jit3A_70 = arith.constant 5 : i32
    %broadcast_in_dim3A_71 = vector.broadcast %jit3A_70 : i32 to vector<1024x1xi32>
    %select_n3A_72 = arith.select %gt3A_69, %broadcast_in_dim3A_71, %select_n3A_66 : vector<1024x1xi1>, vector<1024x1xi32>
    %select_n3A_73 = arith.select %gt3A_69, %slice3A_68, %select_n3A_67 : vector<1024x1xi1>, vector<1024x1xi32>
    %slice3A_74 = vector.extract_strided_slice %add3A_43 {offsets = [0, 6], sizes = [1024, 1], strides = [1, 1]} : vector<1024x16xi32> to vector<1024x1xi32>
    %gt3A_75 = arith.cmpi sgt, %slice3A_74, %select_n3A_73 : vector<1024x1xi32>
    %jit3A_76 = arith.constant 6 : i32
    %broadcast_in_dim3A_77 = vector.broadcast %jit3A_76 : i32 to vector<1024x1xi32>
    %select_n3A_78 = arith.select %gt3A_75, %broadcast_in_dim3A_77, %select_n3A_72 : vector<1024x1xi1>, vector<1024x1xi32>
    %select_n3A_79 = arith.select %gt3A_75, %slice3A_74, %select_n3A_73 : vector<1024x1xi1>, vector<1024x1xi32>
    %slice3A_80 = vector.extract_strided_slice %add3A_43 {offsets = [0, 7], sizes = [1024, 1], strides = [1, 1]} : vector<1024x16xi32> to vector<1024x1xi32>
    %gt3A_81 = arith.cmpi sgt, %slice3A_80, %select_n3A_79 : vector<1024x1xi32>
    %jit3A_82 = arith.constant 7 : i32
    %broadcast_in_dim3A_83 = vector.broadcast %jit3A_82 : i32 to vector<1024x1xi32>
    %select_n3A_84 = arith.select %gt3A_81, %broadcast_in_dim3A_83, %select_n3A_78 : vector<1024x1xi1>, vector<1024x1xi32>
    %select_n3A_85 = arith.select %gt3A_81, %slice3A_80, %select_n3A_79 : vector<1024x1xi1>, vector<1024x1xi32>
    %slice3A_86 = vector.extract_strided_slice %add3A_43 {offsets = [0, 8], sizes = [1024, 1], strides = [1, 1]} : vector<1024x16xi32> to vector<1024x1xi32>
    %gt3A_87 = arith.cmpi sgt, %slice3A_86, %select_n3A_85 : vector<1024x1xi32>
    %jit3A_88 = arith.constant 8 : i32
    %broadcast_in_dim3A_89 = vector.broadcast %jit3A_88 : i32 to vector<1024x1xi32>
    %select_n3A_90 = arith.select %gt3A_87, %broadcast_in_dim3A_89, %select_n3A_84 : vector<1024x1xi1>, vector<1024x1xi32>
    %select_n3A_91 = arith.select %gt3A_87, %slice3A_86, %select_n3A_85 : vector<1024x1xi1>, vector<1024x1xi32>
    %slice3A_92 = vector.extract_strided_slice %add3A_43 {offsets = [0, 9], sizes = [1024, 1], strides = [1, 1]} : vector<1024x16xi32> to vector<1024x1xi32>
    %gt3A_93 = arith.cmpi sgt, %slice3A_92, %select_n3A_91 : vector<1024x1xi32>
    %jit3A_94 = arith.constant 9 : i32
    %broadcast_in_dim3A_95 = vector.broadcast %jit3A_94 : i32 to vector<1024x1xi32>
    %select_n3A_96 = arith.select %gt3A_93, %broadcast_in_dim3A_95, %select_n3A_90 : vector<1024x1xi1>, vector<1024x1xi32>
    %swap3A = arith.constant 0 : index
    %swap3A_97 = arith.constant 0 : index
    %swap3A_98 = vector.load %arg1[%swap3A, %swap3A_97] : memref<1024x1xi32, #tpu.memory_space<vmem>>, vector<1024x1xi32>
    tpu.vector_store %arg1[%swap3A, %swap3A_97], %select_n3A_96 {strides = array<i32>} : memref<1024x1xi32, #tpu.memory_space<vmem>>, vector<1024x1xi32>,
    return
  }
}

module attributes {stable_mosaic.version = 14 : i64} {
  func.func @_knn_body(%arg0: i32, %arg1: memref<1024x128xf32, #tpu.memory_space<vmem>>, %arg2: memref<4096x128xf32, #tpu.memory_space<vmem>>, %arg3: memref<1024x1xf32, #tpu.memory_space<vmem>>, %arg4: memref<1x1x4096xf32, #tpu.memory_space<vmem>>, %arg5: memref<1024x16xi32, #tpu.memory_space<vmem>>, %arg6: memref<4x1024x256xf32, #tpu.memory_space<vmem>>, %arg7: memref<4x1024x256xf32, #tpu.memory_space<vmem>>) attributes {dimension_semantics = [#tpu.dimension_semantics<arbitrary>], iteration_bounds = array<i64: 25>, scalar_prefetch = 0 : i64, scratch_operands = 2 : i64, tpu.core_type = #tpu.core_type<tc>, window_params = [{pipeline_mode = #tpu.pipeline_mode<synchronous>, transform_indices = @transform_0, window_bounds = array<i64: 1024, 128>}, {transform_indices = @transform_1, window_bounds = array<i64: 4096, 128>}, {pipeline_mode = #tpu.pipeline_mode<synchronous>, transform_indices = @transform_2, window_bounds = array<i64: 1024, 1>}, {transform_indices = @transform_3, window_bounds = array<i64: 1, 1, 4096>}, {pipeline_mode = #tpu.pipeline_mode<synchronous>, transform_indices = @transform_4, window_bounds = array<i64: 1024, 16>}]} {
    %eq3A = arith.constant 0 : i32
    %eq3A_0 = arith.cmpi eq, %arg0, %eq3A : i32
    %convert_element_type3A = arith.extui %eq3A_0 : i1 to i32
    %cond3A = arith.constant 0 : i32
    %cond3A_1 = arith.cmpi ne, %convert_element_type3A, %cond3A : i32
    scf.if %cond3A_1 {
      %broadcast_in_dim3A_217 = arith.constant 1.000000e+30 : f32
      %broadcast_in_dim3A_218 = vector.broadcast %broadcast_in_dim3A_217 : f32 to vector<4x1024x256xf32>
      %swap3A_219 = arith.constant 0 : index
      %swap3A_220 = arith.constant 0 : index
      %swap3A_221 = arith.constant 0 : index
      %swap3A_222 = vector.load %arg6[%swap3A_219, %swap3A_220, %swap3A_221] : memref<4x1024x256xf32, #tpu.memory_space<vmem>>, vector<4x1024x256xf32>
      tpu.vector_store %arg6[%swap3A_219, %swap3A_220, %swap3A_221], %broadcast_in_dim3A_218 {strides = array<i32>} : memref<4x1024x256xf32, #tpu.memory_space<vmem>>, vector<4x1024x256xf32>,
      %broadcast_in_dim3A_223 = arith.constant 0.000000e+00 : f32
      %broadcast_in_dim3A_224 = vector.broadcast %broadcast_in_dim3A_223 : f32 to vector<4x1024x256xf32>
      %swap3A_225 = arith.constant 0 : index
      %swap3A_226 = arith.constant 0 : index
      %swap3A_227 = arith.constant 0 : index
      %swap3A_228 = vector.load %arg7[%swap3A_225, %swap3A_226, %swap3A_227] : memref<4x1024x256xf32, #tpu.memory_space<vmem>>, vector<4x1024x256xf32>
      tpu.vector_store %arg7[%swap3A_225, %swap3A_226, %swap3A_227], %broadcast_in_dim3A_224 {strides = array<i32>} : memref<4x1024x256xf32, #tpu.memory_space<vmem>>, vector<4x1024x256xf32>,
    } else {
    }
    %get3A = arith.constant 0 : index
    %get3A_2 = arith.constant 0 : index
    %get3A_3 = vector.load %arg1[%get3A, %get3A_2] : memref<1024x128xf32, #tpu.memory_space<vmem>>, vector<1024x128xf32>
    %get3A_4 = arith.constant 0 : index
    %get3A_5 = arith.constant 0 : index
    %get3A_6 = vector.load %arg2[%get3A_4, %get3A_5] : memref<4096x128xf32, #tpu.memory_space<vmem>>, vector<4096x128xf32>
    %dot_general3A = arith.constant dense<0.000000e+00> : vector<1024x4096xf32>
    %dot_general3A_7 = tpu.matmul %get3A_3, %get3A_6, %dot_general3A {dimension_numbers = #tpu.dot_dimension_numbers<[1], [1], [0], [0], [0, 0, 1, 0], [], []>, transpose_lhs_hint = false} : vector<1024x128xf32>, vector<4096x128xf32>, vector<1024x4096xf32> -> vector<1024x4096xf32>
    %get3A_8 = arith.constant 0 : index
    %get3A_9 = arith.constant 0 : index
    %get3A_10 = vector.load %arg3[%get3A_8, %get3A_9] : memref<1024x1xf32, #tpu.memory_space<vmem>>, vector<1024x1xf32>
    %get3A_11 = arith.constant 0 : index
    %get3A_12 = arith.constant 0 : index
    %get3A_13 = arith.constant 0 : index
    %get3A_14 = vector.load %arg4[%get3A_11, %get3A_12, %get3A_13] : memref<1x1x4096xf32, #tpu.memory_space<vmem>>, vector<1x1x4096xf32>
    %get3A_15 = vector.shape_cast %get3A_14 : vector<1x1x4096xf32> to vector<1x4096xf32>
    %add3A = vector.broadcast %get3A_10 : vector<1024x1xf32> to vector<1024x4096xf32>
    %add3A_16 = vector.broadcast %get3A_15 : vector<1x4096xf32> to vector<1024x4096xf32>
    %add3A_17 = arith.addf %add3A, %add3A_16 : vector<1024x4096xf32>
    %mul3A = arith.constant 2.000000e+00 : f32
    %mul3A_18 = vector.broadcast %mul3A : f32 to vector<1024x4096xf32>
    %mul3A_19 = arith.mulf %mul3A_18, %dot_general3A_7 : vector<1024x4096xf32>
    %sub3A = arith.subf %add3A_17, %mul3A_19 : vector<1024x4096xf32>
    %iota3A = tpu.iota {dimensions = array<i32: 1>} : vector<1x4096xi32>
    %mul3A_20 = arith.constant 4096 : i32
    %mul3A_21 = arith.muli %arg0, %mul3A_20 : i32
    %add3A_22 = vector.broadcast %mul3A_21 : i32 to vector<1x4096xi32>
    %add3A_23 = arith.addi %iota3A, %add3A_22 : vector<1x4096xi32>
    %convert_element_type3A_24 = arith.sitofp %add3A_23 : vector<1x4096xi32> to vector<1x4096xf32>
    %slice3A = vector.extract_strided_slice %sub3A {offsets = [0, 0], sizes = [1024, 2048], strides = [1, 1]} : vector<1024x4096xf32> to vector<1024x2048xf32>
    %slice3A_25 = vector.extract_strided_slice %sub3A {offsets = [0, 2048], sizes = [1024, 2048], strides = [1, 1]} : vector<1024x4096xf32> to vector<1024x2048xf32>
    %lt3A = arith.cmpf olt, %slice3A, %slice3A_25 : vector<1024x2048xf32>
    %slice3A_26 = vector.extract_strided_slice %sub3A {offsets = [0, 0], sizes = [1024, 2048], strides = [1, 1]} : vector<1024x4096xf32> to vector<1024x2048xf32>
    %slice3A_27 = vector.extract_strided_slice %sub3A {offsets = [0, 2048], sizes = [1024, 2048], strides = [1, 1]} : vector<1024x4096xf32> to vector<1024x2048xf32>
    %min3A = arith.minimumf %slice3A_26, %slice3A_27 : vector<1024x2048xf32>
    %slice3A_28 = vector.extract_strided_slice %sub3A {offsets = [0, 0], sizes = [1024, 2048], strides = [1, 1]} : vector<1024x4096xf32> to vector<1024x2048xf32>
    %slice3A_29 = vector.extract_strided_slice %sub3A {offsets = [0, 2048], sizes = [1024, 2048], strides = [1, 1]} : vector<1024x4096xf32> to vector<1024x2048xf32>
    %max3A = arith.maximumf %slice3A_28, %slice3A_29 : vector<1024x2048xf32>
    %slice3A_30 = vector.extract_strided_slice %convert_element_type3A_24 {offsets = [0, 0], sizes = [1, 2048], strides = [1, 1]} : vector<1x4096xf32> to vector<1x2048xf32>
    %slice3A_31 = vector.extract_strided_slice %convert_element_type3A_24 {offsets = [0, 2048], sizes = [1, 2048], strides = [1, 1]} : vector<1x4096xf32> to vector<1x2048xf32>
    %broadcast_in_dim3A = vector.shape_cast %slice3A_30 : vector<1x2048xf32> to vector<1x2048xf32>
    %broadcast_in_dim3A_32 = vector.broadcast %broadcast_in_dim3A : vector<1x2048xf32> to vector<1024x2048xf32>
    %broadcast_in_dim3A_33 = vector.shape_cast %slice3A_31 : vector<1x2048xf32> to vector<1x2048xf32>
    %broadcast_in_dim3A_34 = vector.broadcast %broadcast_in_dim3A_33 : vector<1x2048xf32> to vector<1024x2048xf32>
    %select_n3A = arith.select %lt3A, %broadcast_in_dim3A_32, %broadcast_in_dim3A_34 : vector<1024x2048xi1>, vector<1024x2048xf32>
    %slice3A_35 = vector.extract_strided_slice %convert_element_type3A_24 {offsets = [0, 2048], sizes = [1, 2048], strides = [1, 1]} : vector<1x4096xf32> to vector<1x2048xf32>
    %slice3A_36 = vector.extract_strided_slice %convert_element_type3A_24 {offsets = [0, 0], sizes = [1, 2048], strides = [1, 1]} : vector<1x4096xf32> to vector<1x2048xf32>
    %broadcast_in_dim3A_37 = vector.shape_cast %slice3A_35 : vector<1x2048xf32> to vector<1x2048xf32>
    %broadcast_in_dim3A_38 = vector.broadcast %broadcast_in_dim3A_37 : vector<1x2048xf32> to vector<1024x2048xf32>
    %broadcast_in_dim3A_39 = vector.shape_cast %slice3A_36 : vector<1x2048xf32> to vector<1x2048xf32>
    %broadcast_in_dim3A_40 = vector.broadcast %broadcast_in_dim3A_39 : vector<1x2048xf32> to vector<1024x2048xf32>
    %select_n3A_41 = arith.select %lt3A, %broadcast_in_dim3A_38, %broadcast_in_dim3A_40 : vector<1024x2048xi1>, vector<1024x2048xf32>
    %slice3A_42 = vector.extract_strided_slice %min3A {offsets = [0, 0], sizes = [1024, 1024], strides = [1, 1]} : vector<1024x2048xf32> to vector<1024x1024xf32>
    %slice3A_43 = vector.extract_strided_slice %select_n3A {offsets = [0, 0], sizes = [1024, 1024], strides = [1, 1]} : vector<1024x2048xf32> to vector<1024x1024xf32>
    %slice3A_44 = vector.extract_strided_slice %max3A {offsets = [0, 0], sizes = [1024, 1024], strides = [1, 1]} : vector<1024x2048xf32> to vector<1024x1024xf32>
    %slice3A_45 = vector.extract_strided_slice %select_n3A_41 {offsets = [0, 0], sizes = [1024, 1024], strides = [1, 1]} : vector<1024x2048xf32> to vector<1024x1024xf32>
    %slice3A_46 = vector.extract_strided_slice %min3A {offsets = [0, 1024], sizes = [1024, 1024], strides = [1, 1]} : vector<1024x2048xf32> to vector<1024x1024xf32>
    %slice3A_47 = vector.extract_strided_slice %select_n3A {offsets = [0, 1024], sizes = [1024, 1024], strides = [1, 1]} : vector<1024x2048xf32> to vector<1024x1024xf32>
    %slice3A_48 = vector.extract_strided_slice %max3A {offsets = [0, 1024], sizes = [1024, 1024], strides = [1, 1]} : vector<1024x2048xf32> to vector<1024x1024xf32>
    %slice3A_49 = vector.extract_strided_slice %select_n3A_41 {offsets = [0, 1024], sizes = [1024, 1024], strides = [1, 1]} : vector<1024x2048xf32> to vector<1024x1024xf32>
    %lt3A_50 = arith.cmpf olt, %slice3A_42, %slice3A_46 : vector<1024x1024xf32>
    %min3A_51 = arith.minimumf %slice3A_42, %slice3A_46 : vector<1024x1024xf32>
    %select_n3A_52 = arith.select %lt3A_50, %slice3A_43, %slice3A_47 : vector<1024x1024xi1>, vector<1024x1024xf32>
    %max3A_53 = arith.maximumf %slice3A_42, %slice3A_46 : vector<1024x1024xf32>
    %select_n3A_54 = arith.select %lt3A_50, %slice3A_47, %slice3A_43 : vector<1024x1024xi1>, vector<1024x1024xf32>
    %lt3A_55 = arith.cmpf olt, %slice3A_44, %slice3A_48 : vector<1024x1024xf32>
    %min3A_56 = arith.minimumf %slice3A_44, %slice3A_48 : vector<1024x1024xf32>
    %select_n3A_57 = arith.select %lt3A_55, %slice3A_45, %slice3A_49 : vector<1024x1024xi1>, vector<1024x1024xf32>
    %lt3A_58 = arith.cmpf olt, %max3A_53, %min3A_56 : vector<1024x1024xf32>
    %min3A_59 = arith.minimumf %max3A_53, %min3A_56 : vector<1024x1024xf32>
    %select_n3A_60 = arith.select %lt3A_58, %select_n3A_54, %select_n3A_57 : vector<1024x1024xi1>, vector<1024x1024xf32>
    %slice3A_61 = vector.extract_strided_slice %min3A_51 {offsets = [0, 0], sizes = [1024, 512], strides = [1, 1]} : vector<1024x1024xf32> to vector<1024x512xf32>
    %slice3A_62 = vector.extract_strided_slice %select_n3A_52 {offsets = [0, 0], sizes = [1024, 512], strides = [1, 1]} : vector<1024x1024xf32> to vector<1024x512xf32>
    %slice3A_63 = vector.extract_strided_slice %min3A_59 {offsets = [0, 0], sizes = [1024, 512], strides = [1, 1]} : vector<1024x1024xf32> to vector<1024x512xf32>
    %slice3A_64 = vector.extract_strided_slice %select_n3A_60 {offsets = [0, 0], sizes = [1024, 512], strides = [1, 1]} : vector<1024x1024xf32> to vector<1024x512xf32>
    %slice3A_65 = vector.extract_strided_slice %min3A_51 {offsets = [0, 512], sizes = [1024, 512], strides = [1, 1]} : vector<1024x1024xf32> to vector<1024x512xf32>
    %slice3A_66 = vector.extract_strided_slice %select_n3A_52 {offsets = [0, 512], sizes = [1024, 512], strides = [1, 1]} : vector<1024x1024xf32> to vector<1024x512xf32>
    %slice3A_67 = vector.extract_strided_slice %min3A_59 {offsets = [0, 512], sizes = [1024, 512], strides = [1, 1]} : vector<1024x1024xf32> to vector<1024x512xf32>
    %slice3A_68 = vector.extract_strided_slice %select_n3A_60 {offsets = [0, 512], sizes = [1024, 512], strides = [1, 1]} : vector<1024x1024xf32> to vector<1024x512xf32>
    %lt3A_69 = arith.cmpf olt, %slice3A_61, %slice3A_65 : vector<1024x512xf32>
    %min3A_70 = arith.minimumf %slice3A_61, %slice3A_65 : vector<1024x512xf32>
    %select_n3A_71 = arith.select %lt3A_69, %slice3A_62, %slice3A_66 : vector<1024x512xi1>, vector<1024x512xf32>
    %max3A_72 = arith.maximumf %slice3A_61, %slice3A_65 : vector<1024x512xf32>
    %select_n3A_73 = arith.select %lt3A_69, %slice3A_66, %slice3A_62 : vector<1024x512xi1>, vector<1024x512xf32>
    %lt3A_74 = arith.cmpf olt, %slice3A_63, %slice3A_67 : vector<1024x512xf32>
    %min3A_75 = arith.minimumf %slice3A_63, %slice3A_67 : vector<1024x512xf32>
    %select_n3A_76 = arith.select %lt3A_74, %slice3A_64, %slice3A_68 : vector<1024x512xi1>, vector<1024x512xf32>
    %lt3A_77 = arith.cmpf olt, %max3A_72, %min3A_75 : vector<1024x512xf32>
    %min3A_78 = arith.minimumf %max3A_72, %min3A_75 : vector<1024x512xf32>
    %select_n3A_79 = arith.select %lt3A_77, %select_n3A_73, %select_n3A_76 : vector<1024x512xi1>, vector<1024x512xf32>
    %slice3A_80 = vector.extract_strided_slice %min3A_70 {offsets = [0, 0], sizes = [1024, 256], strides = [1, 1]} : vector<1024x512xf32> to vector<1024x256xf32>
    %slice3A_81 = vector.extract_strided_slice %select_n3A_71 {offsets = [0, 0], sizes = [1024, 256], strides = [1, 1]} : vector<1024x512xf32> to vector<1024x256xf32>
    %slice3A_82 = vector.extract_strided_slice %min3A_78 {offsets = [0, 0], sizes = [1024, 256], strides = [1, 1]} : vector<1024x512xf32> to vector<1024x256xf32>
    %slice3A_83 = vector.extract_strided_slice %select_n3A_79 {offsets = [0, 0], sizes = [1024, 256], strides = [1, 1]} : vector<1024x512xf32> to vector<1024x256xf32>
    %slice3A_84 = vector.extract_strided_slice %min3A_70 {offsets = [0, 256], sizes = [1024, 256], strides = [1, 1]} : vector<1024x512xf32> to vector<1024x256xf32>
    %slice3A_85 = vector.extract_strided_slice %select_n3A_71 {offsets = [0, 256], sizes = [1024, 256], strides = [1, 1]} : vector<1024x512xf32> to vector<1024x256xf32>
    %slice3A_86 = vector.extract_strided_slice %min3A_78 {offsets = [0, 256], sizes = [1024, 256], strides = [1, 1]} : vector<1024x512xf32> to vector<1024x256xf32>
    %slice3A_87 = vector.extract_strided_slice %select_n3A_79 {offsets = [0, 256], sizes = [1024, 256], strides = [1, 1]} : vector<1024x512xf32> to vector<1024x256xf32>
    %lt3A_88 = arith.cmpf olt, %slice3A_80, %slice3A_84 : vector<1024x256xf32>
    %min3A_89 = arith.minimumf %slice3A_80, %slice3A_84 : vector<1024x256xf32>
    %select_n3A_90 = arith.select %lt3A_88, %slice3A_81, %slice3A_85 : vector<1024x256xi1>, vector<1024x256xf32>
    %max3A_91 = arith.maximumf %slice3A_80, %slice3A_84 : vector<1024x256xf32>
    %select_n3A_92 = arith.select %lt3A_88, %slice3A_85, %slice3A_81 : vector<1024x256xi1>, vector<1024x256xf32>
    %lt3A_93 = arith.cmpf olt, %slice3A_82, %slice3A_86 : vector<1024x256xf32>
    %min3A_94 = arith.minimumf %slice3A_82, %slice3A_86 : vector<1024x256xf32>
    %select_n3A_95 = arith.select %lt3A_93, %slice3A_83, %slice3A_87 : vector<1024x256xi1>, vector<1024x256xf32>
    %lt3A_96 = arith.cmpf olt, %max3A_91, %min3A_94 : vector<1024x256xf32>
    %min3A_97 = arith.minimumf %max3A_91, %min3A_94 : vector<1024x256xf32>
    %select_n3A_98 = arith.select %lt3A_96, %select_n3A_92, %select_n3A_95 : vector<1024x256xi1>, vector<1024x256xf32>
    %get3A_99 = arith.constant 0 : index
    %get3A_100 = arith.constant 0 : index
    %get3A_101 = arith.constant 0 : index
    %get3A_102 = vector.load %arg6[%get3A_99, %get3A_100, %get3A_101] : memref<4x1024x256xf32, #tpu.memory_space<vmem>>, vector<1x1024x256xf32>
    %get3A_103 = vector.shape_cast %get3A_102 : vector<1x1024x256xf32> to vector<1024x256xf32>
    %get3A_104 = arith.constant 0 : index
    %get3A_105 = arith.constant 0 : index
    %get3A_106 = arith.constant 0 : index
    %get3A_107 = vector.load %arg7[%get3A_104, %get3A_105, %get3A_106] : memref<4x1024x256xf32, #tpu.memory_space<vmem>>, vector<1x1024x256xf32>
    %get3A_108 = vector.shape_cast %get3A_107 : vector<1x1024x256xf32> to vector<1024x256xf32>
    %get3A_109 = arith.constant 1 : index
    %get3A_110 = arith.constant 0 : index
    %get3A_111 = arith.constant 0 : index
    %get3A_112 = vector.load %arg6[%get3A_109, %get3A_110, %get3A_111] : memref<4x1024x256xf32, #tpu.memory_space<vmem>>, vector<1x1024x256xf32>
    %get3A_113 = vector.shape_cast %get3A_112 : vector<1x1024x256xf32> to vector<1024x256xf32>
    %get3A_114 = arith.constant 1 : index
    %get3A_115 = arith.constant 0 : index
    %get3A_116 = arith.constant 0 : index
    %get3A_117 = vector.load %arg7[%get3A_114, %get3A_115, %get3A_116] : memref<4x1024x256xf32, #tpu.memory_space<vmem>>, vector<1x1024x256xf32>
    %get3A_118 = vector.shape_cast %get3A_117 : vector<1x1024x256xf32> to vector<1024x256xf32>
    %get3A_119 = arith.constant 2 : index
    %get3A_120 = arith.constant 0 : index
    %get3A_121 = arith.constant 0 : index
    %get3A_122 = vector.load %arg6[%get3A_119, %get3A_120, %get3A_121] : memref<4x1024x256xf32, #tpu.memory_space<vmem>>, vector<1x1024x256xf32>
    %get3A_123 = vector.shape_cast %get3A_122 : vector<1x1024x256xf32> to vector<1024x256xf32>
    %get3A_124 = arith.constant 2 : index
    %get3A_125 = arith.constant 0 : index
    %get3A_126 = arith.constant 0 : index
    %get3A_127 = vector.load %arg7[%get3A_124, %get3A_125, %get3A_126] : memref<4x1024x256xf32, #tpu.memory_space<vmem>>, vector<1x1024x256xf32>
    %get3A_128 = vector.shape_cast %get3A_127 : vector<1x1024x256xf32> to vector<1024x256xf32>
    %get3A_129 = arith.constant 3 : index
    %get3A_130 = arith.constant 0 : index
    %get3A_131 = arith.constant 0 : index
    %get3A_132 = vector.load %arg6[%get3A_129, %get3A_130, %get3A_131] : memref<4x1024x256xf32, #tpu.memory_space<vmem>>, vector<1x1024x256xf32>
    %get3A_133 = vector.shape_cast %get3A_132 : vector<1x1024x256xf32> to vector<1024x256xf32>
    %get3A_134 = arith.constant 3 : index
    %get3A_135 = arith.constant 0 : index
    %get3A_136 = arith.constant 0 : index
    %get3A_137 = vector.load %arg7[%get3A_134, %get3A_135, %get3A_136] : memref<4x1024x256xf32, #tpu.memory_space<vmem>>, vector<1x1024x256xf32>
    %get3A_138 = vector.shape_cast %get3A_137 : vector<1x1024x256xf32> to vector<1024x256xf32>
    %lt3A_139 = arith.cmpf olt, %get3A_123, %min3A_97 : vector<1024x256xf32>
    %min3A_140 = arith.minimumf %get3A_123, %min3A_97 : vector<1024x256xf32>
    %select_n3A_141 = arith.select %lt3A_139, %get3A_128, %select_n3A_98 : vector<1024x256xi1>, vector<1024x256xf32>
    %lt3A_142 = arith.cmpf olt, %get3A_133, %min3A_89 : vector<1024x256xf32>
    %min3A_143 = arith.minimumf %get3A_133, %min3A_89 : vector<1024x256xf32>
    %select_n3A_144 = arith.select %lt3A_142, %get3A_138, %select_n3A_90 : vector<1024x256xi1>, vector<1024x256xf32>
    %lt3A_145 = arith.cmpf olt, %get3A_103, %min3A_140 : vector<1024x256xf32>
    %min3A_146 = arith.minimumf %get3A_103, %min3A_140 : vector<1024x256xf32>
    %select_n3A_147 = arith.select %lt3A_145, %get3A_108, %select_n3A_141 : vector<1024x256xi1>, vector<1024x256xf32>
    %max3A_148 = arith.maximumf %get3A_103, %min3A_140 : vector<1024x256xf32>
    %select_n3A_149 = arith.select %lt3A_145, %select_n3A_141, %get3A_108 : vector<1024x256xi1>, vector<1024x256xf32>
    %lt3A_150 = arith.cmpf olt, %get3A_113, %min3A_143 : vector<1024x256xf32>
    %min3A_151 = arith.minimumf %get3A_113, %min3A_143 : vector<1024x256xf32>
    %select_n3A_152 = arith.select %lt3A_150, %get3A_118, %select_n3A_144 : vector<1024x256xi1>, vector<1024x256xf32>
    %max3A_153 = arith.maximumf %get3A_113, %min3A_143 : vector<1024x256xf32>
    %select_n3A_154 = arith.select %lt3A_150, %select_n3A_144, %get3A_118 : vector<1024x256xi1>, vector<1024x256xf32>
    %lt3A_155 = arith.cmpf olt, %min3A_146, %min3A_151 : vector<1024x256xf32>
    %min3A_156 = arith.minimumf %min3A_146, %min3A_151 : vector<1024x256xf32>
    %select_n3A_157 = arith.select %lt3A_155, %select_n3A_147, %select_n3A_152 : vector<1024x256xi1>, vector<1024x256xf32>
    %max3A_158 = arith.maximumf %min3A_146, %min3A_151 : vector<1024x256xf32>
    %select_n3A_159 = arith.select %lt3A_155, %select_n3A_152, %select_n3A_147 : vector<1024x256xi1>, vector<1024x256xf32>
    %lt3A_160 = arith.cmpf olt, %max3A_148, %max3A_153 : vector<1024x256xf32>
    %min3A_161 = arith.minimumf %max3A_148, %max3A_153 : vector<1024x256xf32>
    %select_n3A_162 = arith.select %lt3A_160, %select_n3A_149, %select_n3A_154 : vector<1024x256xi1>, vector<1024x256xf32>
    %max3A_163 = arith.maximumf %max3A_148, %max3A_153 : vector<1024x256xf32>
    %select_n3A_164 = arith.select %lt3A_160, %select_n3A_154, %select_n3A_149 : vector<1024x256xi1>, vector<1024x256xf32>
    %swap3A = arith.constant 0 : index
    %swap3A_165 = arith.constant 0 : index
    %swap3A_166 = arith.constant 0 : index
    %swap3A_167 = vector.load %arg6[%swap3A, %swap3A_165, %swap3A_166] : memref<4x1024x256xf32, #tpu.memory_space<vmem>>, vector<1x1024x256xf32>
    %swap3A_168 = vector.shape_cast %swap3A_167 : vector<1x1024x256xf32> to vector<1024x256xf32>
    %swap3A_169 = vector.shape_cast %min3A_156 : vector<1024x256xf32> to vector<1x1024x256xf32>
    tpu.vector_store %arg6[%swap3A, %swap3A_165, %swap3A_166], %swap3A_169 {strides = array<i32>} : memref<4x1024x256xf32, #tpu.memory_space<vmem>>, vector<1x1024x256xf32>,
    %swap3A_170 = arith.constant 0 : index
    %swap3A_171 = arith.constant 0 : index
    %swap3A_172 = arith.constant 0 : index
    %swap3A_173 = vector.load %arg7[%swap3A_170, %swap3A_171, %swap3A_172] : memref<4x1024x256xf32, #tpu.memory_space<vmem>>, vector<1x1024x256xf32>
    %swap3A_174 = vector.shape_cast %swap3A_173 : vector<1x1024x256xf32> to vector<1024x256xf32>
    %swap3A_175 = vector.shape_cast %select_n3A_157 : vector<1024x256xf32> to vector<1x1024x256xf32>
    tpu.vector_store %arg7[%swap3A_170, %swap3A_171, %swap3A_172], %swap3A_175 {strides = array<i32>} : memref<4x1024x256xf32, #tpu.memory_space<vmem>>, vector<1x1024x256xf32>,
    %swap3A_176 = arith.constant 1 : index
    %swap3A_177 = arith.constant 0 : index
    %swap3A_178 = arith.constant 0 : index
    %swap3A_179 = vector.load %arg6[%swap3A_176, %swap3A_177, %swap3A_178] : memref<4x1024x256xf32, #tpu.memory_space<vmem>>, vector<1x1024x256xf32>
    %swap3A_180 = vector.shape_cast %swap3A_179 : vector<1x1024x256xf32> to vector<1024x256xf32>
    %swap3A_181 = vector.shape_cast %max3A_158 : vector<1024x256xf32> to vector<1x1024x256xf32>
    tpu.vector_store %arg6[%swap3A_176, %swap3A_177, %swap3A_178], %swap3A_181 {strides = array<i32>} : memref<4x1024x256xf32, #tpu.memory_space<vmem>>, vector<1x1024x256xf32>,
    %swap3A_182 = arith.constant 1 : index
    %swap3A_183 = arith.constant 0 : index
    %swap3A_184 = arith.constant 0 : index
    %swap3A_185 = vector.load %arg7[%swap3A_182, %swap3A_183, %swap3A_184] : memref<4x1024x256xf32, #tpu.memory_space<vmem>>, vector<1x1024x256xf32>
    %swap3A_186 = vector.shape_cast %swap3A_185 : vector<1x1024x256xf32> to vector<1024x256xf32>
    %swap3A_187 = vector.shape_cast %select_n3A_159 : vector<1024x256xf32> to vector<1x1024x256xf32>
    tpu.vector_store %arg7[%swap3A_182, %swap3A_183, %swap3A_184], %swap3A_187 {strides = array<i32>} : memref<4x1024x256xf32, #tpu.memory_space<vmem>>, vector<1x1024x256xf32>,
    %swap3A_188 = arith.constant 2 : index
    %swap3A_189 = arith.constant 0 : index
    %swap3A_190 = arith.constant 0 : index
    %swap3A_191 = vector.load %arg6[%swap3A_188, %swap3A_189, %swap3A_190] : memref<4x1024x256xf32, #tpu.memory_space<vmem>>, vector<1x1024x256xf32>
    %swap3A_192 = vector.shape_cast %swap3A_191 : vector<1x1024x256xf32> to vector<1024x256xf32>
    %swap3A_193 = vector.shape_cast %min3A_161 : vector<1024x256xf32> to vector<1x1024x256xf32>
    tpu.vector_store %arg6[%swap3A_188, %swap3A_189, %swap3A_190], %swap3A_193 {strides = array<i32>} : memref<4x1024x256xf32, #tpu.memory_space<vmem>>, vector<1x1024x256xf32>,
    %swap3A_194 = arith.constant 2 : index
    %swap3A_195 = arith.constant 0 : index
    %swap3A_196 = arith.constant 0 : index
    %swap3A_197 = vector.load %arg7[%swap3A_194, %swap3A_195, %swap3A_196] : memref<4x1024x256xf32, #tpu.memory_space<vmem>>, vector<1x1024x256xf32>
    %swap3A_198 = vector.shape_cast %swap3A_197 : vector<1x1024x256xf32> to vector<1024x256xf32>
    %swap3A_199 = vector.shape_cast %select_n3A_162 : vector<1024x256xf32> to vector<1x1024x256xf32>
    tpu.vector_store %arg7[%swap3A_194, %swap3A_195, %swap3A_196], %swap3A_199 {strides = array<i32>} : memref<4x1024x256xf32, #tpu.memory_space<vmem>>, vector<1x1024x256xf32>,
    %swap3A_200 = arith.constant 3 : index
    %swap3A_201 = arith.constant 0 : index
    %swap3A_202 = arith.constant 0 : index
    %swap3A_203 = vector.load %arg6[%swap3A_200, %swap3A_201, %swap3A_202] : memref<4x1024x256xf32, #tpu.memory_space<vmem>>, vector<1x1024x256xf32>
    %swap3A_204 = vector.shape_cast %swap3A_203 : vector<1x1024x256xf32> to vector<1024x256xf32>
    %swap3A_205 = vector.shape_cast %max3A_163 : vector<1024x256xf32> to vector<1x1024x256xf32>
    tpu.vector_store %arg6[%swap3A_200, %swap3A_201, %swap3A_202], %swap3A_205 {strides = array<i32>} : memref<4x1024x256xf32, #tpu.memory_space<vmem>>, vector<1x1024x256xf32>,
    %swap3A_206 = arith.constant 3 : index
    %swap3A_207 = arith.constant 0 : index
    %swap3A_208 = arith.constant 0 : index
    %swap3A_209 = vector.load %arg7[%swap3A_206, %swap3A_207, %swap3A_208] : memref<4x1024x256xf32, #tpu.memory_space<vmem>>, vector<1x1024x256xf32>
    %swap3A_210 = vector.shape_cast %swap3A_209 : vector<1x1024x256xf32> to vector<1024x256xf32>
    %swap3A_211 = vector.shape_cast %select_n3A_164 : vector<1024x256xf32> to vector<1x1024x256xf32>
    tpu.vector_store %arg7[%swap3A_206, %swap3A_207, %swap3A_208], %swap3A_211 {strides = array<i32>} : memref<4x1024x256xf32, #tpu.memory_space<vmem>>, vector<1x1024x256xf32>,
    %eq3A_212 = arith.constant 24 : i32
    %eq3A_213 = arith.cmpi eq, %arg0, %eq3A_212 : i32
    %convert_element_type3A_214 = arith.extui %eq3A_213 : i1 to i32
    %cond3A_215 = arith.constant 0 : i32
    %cond3A_216 = arith.cmpi ne, %convert_element_type3A_214, %cond3A_215 : i32
    scf.if %cond3A_216 {
      %get3A_217 = arith.constant 0 : index
      %get3A_218 = arith.constant 0 : index
      %get3A_219 = arith.constant 0 : index
      %get3A_220 = vector.load %arg6[%get3A_217, %get3A_218, %get3A_219] : memref<4x1024x256xf32, #tpu.memory_space<vmem>>, vector<1x1024x256xf32>
      %get3A_221 = vector.shape_cast %get3A_220 : vector<1x1024x256xf32> to vector<1024x256xf32>
      %get3A_222 = arith.constant 1 : index
      %get3A_223 = arith.constant 0 : index
      %get3A_224 = arith.constant 0 : index
      %get3A_225 = vector.load %arg6[%get3A_222, %get3A_223, %get3A_224] : memref<4x1024x256xf32, #tpu.memory_space<vmem>>, vector<1x1024x256xf32>
      %get3A_226 = vector.shape_cast %get3A_225 : vector<1x1024x256xf32> to vector<1024x256xf32>
      %get3A_227 = arith.constant 2 : index
      %get3A_228 = arith.constant 0 : index
      %get3A_229 = arith.constant 0 : index
      %get3A_230 = vector.load %arg6[%get3A_227, %get3A_228, %get3A_229] : memref<4x1024x256xf32, #tpu.memory_space<vmem>>, vector<1x1024x256xf32>
      %get3A_231 = vector.shape_cast %get3A_230 : vector<1x1024x256xf32> to vector<1024x256xf32>
      %get3A_232 = arith.constant 3 : index
      %get3A_233 = arith.constant 0 : index
      %get3A_234 = arith.constant 0 : index
      %get3A_235 = vector.load %arg6[%get3A_232, %get3A_233, %get3A_234] : memref<4x1024x256xf32, #tpu.memory_space<vmem>>, vector<1x1024x256xf32>
      %get3A_236 = vector.shape_cast %get3A_235 : vector<1x1024x256xf32> to vector<1024x256xf32>
      %concatenate3A = tpu.concatenate %get3A_221, %get3A_226, %get3A_231, %get3A_236 in 1 : vector<1024x256xf32>, vector<1024x256xf32>, vector<1024x256xf32>, vector<1024x256xf32> -> vector<1024x1024xf32>
      %get3A_237 = arith.constant 0 : index
      %get3A_238 = arith.constant 0 : index
      %get3A_239 = arith.constant 0 : index
      %get3A_240 = vector.load %arg7[%get3A_237, %get3A_238, %get3A_239] : memref<4x1024x256xf32, #tpu.memory_space<vmem>>, vector<1x1024x256xf32>
      %get3A_241 = vector.shape_cast %get3A_240 : vector<1x1024x256xf32> to vector<1024x256xf32>
      %get3A_242 = arith.constant 1 : index
      %get3A_243 = arith.constant 0 : index
      %get3A_244 = arith.constant 0 : index
      %get3A_245 = vector.load %arg7[%get3A_242, %get3A_243, %get3A_244] : memref<4x1024x256xf32, #tpu.memory_space<vmem>>, vector<1x1024x256xf32>
      %get3A_246 = vector.shape_cast %get3A_245 : vector<1x1024x256xf32> to vector<1024x256xf32>
      %get3A_247 = arith.constant 2 : index
      %get3A_248 = arith.constant 0 : index
      %get3A_249 = arith.constant 0 : index
      %get3A_250 = vector.load %arg7[%get3A_247, %get3A_248, %get3A_249] : memref<4x1024x256xf32, #tpu.memory_space<vmem>>, vector<1x1024x256xf32>
      %get3A_251 = vector.shape_cast %get3A_250 : vector<1x1024x256xf32> to vector<1024x256xf32>
      %get3A_252 = arith.constant 3 : index
      %get3A_253 = arith.constant 0 : index
      %get3A_254 = arith.constant 0 : index
      %get3A_255 = vector.load %arg7[%get3A_252, %get3A_253, %get3A_254] : memref<4x1024x256xf32, #tpu.memory_space<vmem>>, vector<1x1024x256xf32>
      %get3A_256 = vector.shape_cast %get3A_255 : vector<1x1024x256xf32> to vector<1024x256xf32>
      %concatenate3A_257 = tpu.concatenate %get3A_241, %get3A_246, %get3A_251, %get3A_256 in 1 : vector<1024x256xf32>, vector<1024x256xf32>, vector<1024x256xf32>, vector<1024x256xf32> -> vector<1024x1024xf32>
      %iota3A_258 = tpu.iota {dimensions = array<i32: 1>} : vector<1024x1024xi32>
      %iota3A_259 = tpu.iota {dimensions = array<i32: 1>} : vector<1024x16xi32>
      %broadcast_in_dim3A_260 = arith.constant 0 : i32
      %broadcast_in_dim3A_261 = vector.broadcast %broadcast_in_dim3A_260 : i32 to vector<1024x16xi32>
      %reduce_min3A = arith.constant dense<0x7F800000> : vector<1024xf32>
      %reduce_min3A_262 = vector.multi_reduction <minimumf>, %concatenate3A, %reduce_min3A [1] : vector<1024x1024xf32> to vector<1024xf32>
      %broadcast_in_dim3A_263 = vector.shape_cast %reduce_min3A_262 : vector<1024xf32> to vector<1024x1xf32>
      %eq3A_264 = vector.broadcast %broadcast_in_dim3A_263 : vector<1024x1xf32> to vector<1024x1024xf32>
      %eq3A_265 = arith.cmpf oeq, %concatenate3A, %eq3A_264 : vector<1024x1024xf32>
      %jit3A = arith.constant 1073741824 : i32
      %broadcast_in_dim3A_266 = vector.broadcast %jit3A : i32 to vector<1024x1024xi32>
      %select_n3A_267 = arith.select %eq3A_265, %iota3A_258, %broadcast_in_dim3A_266 : vector<1024x1024xi1>, vector<1024x1024xi32>
      %reduce_min3A_268 = arith.constant dense<2147483647> : vector<1024xi32>
      %reduce_min3A_269 = vector.multi_reduction <minsi>, %select_n3A_267, %reduce_min3A_268 [1] : vector<1024x1024xi32> to vector<1024xi32>
      %broadcast_in_dim3A_270 = vector.shape_cast %reduce_min3A_269 : vector<1024xi32> to vector<1024x1xi32>
      %eq3A_271 = vector.broadcast %broadcast_in_dim3A_270 : vector<1024x1xi32> to vector<1024x1024xi32>
      %eq3A_272 = arith.cmpi eq, %iota3A_258, %eq3A_271 : vector<1024x1024xi32>
      %jit3A_273 = arith.constant 1.000000e+30 : f32
      %broadcast_in_dim3A_274 = vector.broadcast %jit3A_273 : f32 to vector<1024x1024xf32>
      %select_n3A_275 = arith.select %eq3A_272, %concatenate3A_257, %broadcast_in_dim3A_274 : vector<1024x1024xi1>, vector<1024x1024xf32>
      %reduce_min3A_276 = arith.constant dense<0x7F800000> : vector<1024xf32>
      %reduce_min3A_277 = vector.multi_reduction <minimumf>, %select_n3A_275, %reduce_min3A_276 [1] : vector<1024x1024xf32> to vector<1024xf32>
      %broadcast_in_dim3A_278 = vector.shape_cast %reduce_min3A_277 : vector<1024xf32> to vector<1024x1xf32>
      %eq3A_279 = arith.constant 0 : i32
      %eq3A_280 = vector.broadcast %eq3A_279 : i32 to vector<1024x16xi32>
      %eq3A_281 = arith.cmpi eq, %iota3A_259, %eq3A_280 : vector<1024x16xi32>
      %convert_element_type3A_282 = arith.fptosi %broadcast_in_dim3A_278 : vector<1024x1xf32> to vector<1024x1xi32>
      %broadcast_in_dim3A_283 = vector.shape_cast %convert_element_type3A_282 : vector<1024x1xi32> to vector<1024x1xi32>
      %broadcast_in_dim3A_284 = vector.broadcast %broadcast_in_dim3A_283 : vector<1024x1xi32> to vector<1024x16xi32>
      %select_n3A_285 = arith.select %eq3A_281, %broadcast_in_dim3A_284, %broadcast_in_dim3A_261 : vector<1024x16xi1>, vector<1024x16xi32>
      %jit3A_286 = arith.constant 1.000000e+30 : f32
      %broadcast_in_dim3A_287 = vector.broadcast %jit3A_286 : f32 to vector<1024x1024xf32>
      %select_n3A_288 = arith.select %eq3A_272, %broadcast_in_dim3A_287, %concatenate3A : vector<1024x1024xi1>, vector<1024x1024xf32>
      %reduce_min3A_289 = arith.constant dense<0x7F800000> : vector<1024xf32>
      %reduce_min3A_290 = vector.multi_reduction <minimumf>, %select_n3A_288, %reduce_min3A_289 [1] : vector<1024x1024xf32> to vector<1024xf32>
      %broadcast_in_dim3A_291 = vector.shape_cast %reduce_min3A_290 : vector<1024xf32> to vector<1024x1xf32>
      %eq3A_292 = vector.broadcast %broadcast_in_dim3A_291 : vector<1024x1xf32> to vector<1024x1024xf32>
      %eq3A_293 = arith.cmpf oeq, %select_n3A_288, %eq3A_292 : vector<1024x1024xf32>
      %jit3A_294 = arith.constant 1073741824 : i32
      %broadcast_in_dim3A_295 = vector.broadcast %jit3A_294 : i32 to vector<1024x1024xi32>
      %select_n3A_296 = arith.select %eq3A_293, %iota3A_258, %broadcast_in_dim3A_295 : vector<1024x1024xi1>, vector<1024x1024xi32>
      %reduce_min3A_297 = arith.constant dense<2147483647> : vector<1024xi32>
      %reduce_min3A_298 = vector.multi_reduction <minsi>, %select_n3A_296, %reduce_min3A_297 [1] : vector<1024x1024xi32> to vector<1024xi32>
      %broadcast_in_dim3A_299 = vector.shape_cast %reduce_min3A_298 : vector<1024xi32> to vector<1024x1xi32>
      %eq3A_300 = vector.broadcast %broadcast_in_dim3A_299 : vector<1024x1xi32> to vector<1024x1024xi32>
      %eq3A_301 = arith.cmpi eq, %iota3A_258, %eq3A_300 : vector<1024x1024xi32>
      %jit3A_302 = arith.constant 1.000000e+30 : f32
      %broadcast_in_dim3A_303 = vector.broadcast %jit3A_302 : f32 to vector<1024x1024xf32>
      %select_n3A_304 = arith.select %eq3A_301, %concatenate3A_257, %broadcast_in_dim3A_303 : vector<1024x1024xi1>, vector<1024x1024xf32>
      %reduce_min3A_305 = arith.constant dense<0x7F800000> : vector<1024xf32>
      %reduce_min3A_306 = vector.multi_reduction <minimumf>, %select_n3A_304, %reduce_min3A_305 [1] : vector<1024x1024xf32> to vector<1024xf32>
      %broadcast_in_dim3A_307 = vector.shape_cast %reduce_min3A_306 : vector<1024xf32> to vector<1024x1xf32>
      %eq3A_308 = arith.constant 1 : i32
      %eq3A_309 = vector.broadcast %eq3A_308 : i32 to vector<1024x16xi32>
      %eq3A_310 = arith.cmpi eq, %iota3A_259, %eq3A_309 : vector<1024x16xi32>
      %convert_element_type3A_311 = arith.fptosi %broadcast_in_dim3A_307 : vector<1024x1xf32> to vector<1024x1xi32>
      %broadcast_in_dim3A_312 = vector.shape_cast %convert_element_type3A_311 : vector<1024x1xi32> to vector<1024x1xi32>
      %broadcast_in_dim3A_313 = vector.broadcast %broadcast_in_dim3A_312 : vector<1024x1xi32> to vector<1024x16xi32>
      %select_n3A_314 = arith.select %eq3A_310, %broadcast_in_dim3A_313, %select_n3A_285 : vector<1024x16xi1>, vector<1024x16xi32>
      %jit3A_315 = arith.constant 1.000000e+30 : f32
      %broadcast_in_dim3A_316 = vector.broadcast %jit3A_315 : f32 to vector<1024x1024xf32>
      %select_n3A_317 = arith.select %eq3A_301, %broadcast_in_dim3A_316, %select_n3A_288 : vector<1024x1024xi1>, vector<1024x1024xf32>
      %reduce_min3A_318 = arith.constant dense<0x7F800000> : vector<1024xf32>
      %reduce_min3A_319 = vector.multi_reduction <minimumf>, %select_n3A_317, %reduce_min3A_318 [1] : vector<1024x1024xf32> to vector<1024xf32>
      %broadcast_in_dim3A_320 = vector.shape_cast %reduce_min3A_319 : vector<1024xf32> to vector<1024x1xf32>
      %eq3A_321 = vector.broadcast %broadcast_in_dim3A_320 : vector<1024x1xf32> to vector<1024x1024xf32>
      %eq3A_322 = arith.cmpf oeq, %select_n3A_317, %eq3A_321 : vector<1024x1024xf32>
      %jit3A_323 = arith.constant 1073741824 : i32
      %broadcast_in_dim3A_324 = vector.broadcast %jit3A_323 : i32 to vector<1024x1024xi32>
      %select_n3A_325 = arith.select %eq3A_322, %iota3A_258, %broadcast_in_dim3A_324 : vector<1024x1024xi1>, vector<1024x1024xi32>
      %reduce_min3A_326 = arith.constant dense<2147483647> : vector<1024xi32>
      %reduce_min3A_327 = vector.multi_reduction <minsi>, %select_n3A_325, %reduce_min3A_326 [1] : vector<1024x1024xi32> to vector<1024xi32>
      %broadcast_in_dim3A_328 = vector.shape_cast %reduce_min3A_327 : vector<1024xi32> to vector<1024x1xi32>
      %eq3A_329 = vector.broadcast %broadcast_in_dim3A_328 : vector<1024x1xi32> to vector<1024x1024xi32>
      %eq3A_330 = arith.cmpi eq, %iota3A_258, %eq3A_329 : vector<1024x1024xi32>
      %jit3A_331 = arith.constant 1.000000e+30 : f32
      %broadcast_in_dim3A_332 = vector.broadcast %jit3A_331 : f32 to vector<1024x1024xf32>
      %select_n3A_333 = arith.select %eq3A_330, %concatenate3A_257, %broadcast_in_dim3A_332 : vector<1024x1024xi1>, vector<1024x1024xf32>
      %reduce_min3A_334 = arith.constant dense<0x7F800000> : vector<1024xf32>
      %reduce_min3A_335 = vector.multi_reduction <minimumf>, %select_n3A_333, %reduce_min3A_334 [1] : vector<1024x1024xf32> to vector<1024xf32>
      %broadcast_in_dim3A_336 = vector.shape_cast %reduce_min3A_335 : vector<1024xf32> to vector<1024x1xf32>
      %eq3A_337 = arith.constant 2 : i32
      %eq3A_338 = vector.broadcast %eq3A_337 : i32 to vector<1024x16xi32>
      %eq3A_339 = arith.cmpi eq, %iota3A_259, %eq3A_338 : vector<1024x16xi32>
      %convert_element_type3A_340 = arith.fptosi %broadcast_in_dim3A_336 : vector<1024x1xf32> to vector<1024x1xi32>
      %broadcast_in_dim3A_341 = vector.shape_cast %convert_element_type3A_340 : vector<1024x1xi32> to vector<1024x1xi32>
      %broadcast_in_dim3A_342 = vector.broadcast %broadcast_in_dim3A_341 : vector<1024x1xi32> to vector<1024x16xi32>
      %select_n3A_343 = arith.select %eq3A_339, %broadcast_in_dim3A_342, %select_n3A_314 : vector<1024x16xi1>, vector<1024x16xi32>
      %jit3A_344 = arith.constant 1.000000e+30 : f32
      %broadcast_in_dim3A_345 = vector.broadcast %jit3A_344 : f32 to vector<1024x1024xf32>
      %select_n3A_346 = arith.select %eq3A_330, %broadcast_in_dim3A_345, %select_n3A_317 : vector<1024x1024xi1>, vector<1024x1024xf32>
      %reduce_min3A_347 = arith.constant dense<0x7F800000> : vector<1024xf32>
      %reduce_min3A_348 = vector.multi_reduction <minimumf>, %select_n3A_346, %reduce_min3A_347 [1] : vector<1024x1024xf32> to vector<1024xf32>
      %broadcast_in_dim3A_349 = vector.shape_cast %reduce_min3A_348 : vector<1024xf32> to vector<1024x1xf32>
      %eq3A_350 = vector.broadcast %broadcast_in_dim3A_349 : vector<1024x1xf32> to vector<1024x1024xf32>
      %eq3A_351 = arith.cmpf oeq, %select_n3A_346, %eq3A_350 : vector<1024x1024xf32>
      %jit3A_352 = arith.constant 1073741824 : i32
      %broadcast_in_dim3A_353 = vector.broadcast %jit3A_352 : i32 to vector<1024x1024xi32>
      %select_n3A_354 = arith.select %eq3A_351, %iota3A_258, %broadcast_in_dim3A_353 : vector<1024x1024xi1>, vector<1024x1024xi32>
      %reduce_min3A_355 = arith.constant dense<2147483647> : vector<1024xi32>
      %reduce_min3A_356 = vector.multi_reduction <minsi>, %select_n3A_354, %reduce_min3A_355 [1] : vector<1024x1024xi32> to vector<1024xi32>
      %broadcast_in_dim3A_357 = vector.shape_cast %reduce_min3A_356 : vector<1024xi32> to vector<1024x1xi32>
      %eq3A_358 = vector.broadcast %broadcast_in_dim3A_357 : vector<1024x1xi32> to vector<1024x1024xi32>
      %eq3A_359 = arith.cmpi eq, %iota3A_258, %eq3A_358 : vector<1024x1024xi32>
      %jit3A_360 = arith.constant 1.000000e+30 : f32
      %broadcast_in_dim3A_361 = vector.broadcast %jit3A_360 : f32 to vector<1024x1024xf32>
      %select_n3A_362 = arith.select %eq3A_359, %concatenate3A_257, %broadcast_in_dim3A_361 : vector<1024x1024xi1>, vector<1024x1024xf32>
      %reduce_min3A_363 = arith.constant dense<0x7F800000> : vector<1024xf32>
      %reduce_min3A_364 = vector.multi_reduction <minimumf>, %select_n3A_362, %reduce_min3A_363 [1] : vector<1024x1024xf32> to vector<1024xf32>
      %broadcast_in_dim3A_365 = vector.shape_cast %reduce_min3A_364 : vector<1024xf32> to vector<1024x1xf32>
      %eq3A_366 = arith.constant 3 : i32
      %eq3A_367 = vector.broadcast %eq3A_366 : i32 to vector<1024x16xi32>
      %eq3A_368 = arith.cmpi eq, %iota3A_259, %eq3A_367 : vector<1024x16xi32>
      %convert_element_type3A_369 = arith.fptosi %broadcast_in_dim3A_365 : vector<1024x1xf32> to vector<1024x1xi32>
      %broadcast_in_dim3A_370 = vector.shape_cast %convert_element_type3A_369 : vector<1024x1xi32> to vector<1024x1xi32>
      %broadcast_in_dim3A_371 = vector.broadcast %broadcast_in_dim3A_370 : vector<1024x1xi32> to vector<1024x16xi32>
      %select_n3A_372 = arith.select %eq3A_368, %broadcast_in_dim3A_371, %select_n3A_343 : vector<1024x16xi1>, vector<1024x16xi32>
      %jit3A_373 = arith.constant 1.000000e+30 : f32
      %broadcast_in_dim3A_374 = vector.broadcast %jit3A_373 : f32 to vector<1024x1024xf32>
      %select_n3A_375 = arith.select %eq3A_359, %broadcast_in_dim3A_374, %select_n3A_346 : vector<1024x1024xi1>, vector<1024x1024xf32>
      %reduce_min3A_376 = arith.constant dense<0x7F800000> : vector<1024xf32>
      %reduce_min3A_377 = vector.multi_reduction <minimumf>, %select_n3A_375, %reduce_min3A_376 [1] : vector<1024x1024xf32> to vector<1024xf32>
      %broadcast_in_dim3A_378 = vector.shape_cast %reduce_min3A_377 : vector<1024xf32> to vector<1024x1xf32>
      %eq3A_379 = vector.broadcast %broadcast_in_dim3A_378 : vector<1024x1xf32> to vector<1024x1024xf32>
      %eq3A_380 = arith.cmpf oeq, %select_n3A_375, %eq3A_379 : vector<1024x1024xf32>
      %jit3A_381 = arith.constant 1073741824 : i32
      %broadcast_in_dim3A_382 = vector.broadcast %jit3A_381 : i32 to vector<1024x1024xi32>
      %select_n3A_383 = arith.select %eq3A_380, %iota3A_258, %broadcast_in_dim3A_382 : vector<1024x1024xi1>, vector<1024x1024xi32>
      %reduce_min3A_384 = arith.constant dense<2147483647> : vector<1024xi32>
      %reduce_min3A_385 = vector.multi_reduction <minsi>, %select_n3A_383, %reduce_min3A_384 [1] : vector<1024x1024xi32> to vector<1024xi32>
      %broadcast_in_dim3A_386 = vector.shape_cast %reduce_min3A_385 : vector<1024xi32> to vector<1024x1xi32>
      %eq3A_387 = vector.broadcast %broadcast_in_dim3A_386 : vector<1024x1xi32> to vector<1024x1024xi32>
      %eq3A_388 = arith.cmpi eq, %iota3A_258, %eq3A_387 : vector<1024x1024xi32>
      %jit3A_389 = arith.constant 1.000000e+30 : f32
      %broadcast_in_dim3A_390 = vector.broadcast %jit3A_389 : f32 to vector<1024x1024xf32>
      %select_n3A_391 = arith.select %eq3A_388, %concatenate3A_257, %broadcast_in_dim3A_390 : vector<1024x1024xi1>, vector<1024x1024xf32>
      %reduce_min3A_392 = arith.constant dense<0x7F800000> : vector<1024xf32>
      %reduce_min3A_393 = vector.multi_reduction <minimumf>, %select_n3A_391, %reduce_min3A_392 [1] : vector<1024x1024xf32> to vector<1024xf32>
      %broadcast_in_dim3A_394 = vector.shape_cast %reduce_min3A_393 : vector<1024xf32> to vector<1024x1xf32>
      %eq3A_395 = arith.constant 4 : i32
      %eq3A_396 = vector.broadcast %eq3A_395 : i32 to vector<1024x16xi32>
      %eq3A_397 = arith.cmpi eq, %iota3A_259, %eq3A_396 : vector<1024x16xi32>
      %convert_element_type3A_398 = arith.fptosi %broadcast_in_dim3A_394 : vector<1024x1xf32> to vector<1024x1xi32>
      %broadcast_in_dim3A_399 = vector.shape_cast %convert_element_type3A_398 : vector<1024x1xi32> to vector<1024x1xi32>
      %broadcast_in_dim3A_400 = vector.broadcast %broadcast_in_dim3A_399 : vector<1024x1xi32> to vector<1024x16xi32>
      %select_n3A_401 = arith.select %eq3A_397, %broadcast_in_dim3A_400, %select_n3A_372 : vector<1024x16xi1>, vector<1024x16xi32>
      %jit3A_402 = arith.constant 1.000000e+30 : f32
      %broadcast_in_dim3A_403 = vector.broadcast %jit3A_402 : f32 to vector<1024x1024xf32>
      %select_n3A_404 = arith.select %eq3A_388, %broadcast_in_dim3A_403, %select_n3A_375 : vector<1024x1024xi1>, vector<1024x1024xf32>
      %reduce_min3A_405 = arith.constant dense<0x7F800000> : vector<1024xf32>
      %reduce_min3A_406 = vector.multi_reduction <minimumf>, %select_n3A_404, %reduce_min3A_405 [1] : vector<1024x1024xf32> to vector<1024xf32>
      %broadcast_in_dim3A_407 = vector.shape_cast %reduce_min3A_406 : vector<1024xf32> to vector<1024x1xf32>
      %eq3A_408 = vector.broadcast %broadcast_in_dim3A_407 : vector<1024x1xf32> to vector<1024x1024xf32>
      %eq3A_409 = arith.cmpf oeq, %select_n3A_404, %eq3A_408 : vector<1024x1024xf32>
      %jit3A_410 = arith.constant 1073741824 : i32
      %broadcast_in_dim3A_411 = vector.broadcast %jit3A_410 : i32 to vector<1024x1024xi32>
      %select_n3A_412 = arith.select %eq3A_409, %iota3A_258, %broadcast_in_dim3A_411 : vector<1024x1024xi1>, vector<1024x1024xi32>
      %reduce_min3A_413 = arith.constant dense<2147483647> : vector<1024xi32>
      %reduce_min3A_414 = vector.multi_reduction <minsi>, %select_n3A_412, %reduce_min3A_413 [1] : vector<1024x1024xi32> to vector<1024xi32>
      %broadcast_in_dim3A_415 = vector.shape_cast %reduce_min3A_414 : vector<1024xi32> to vector<1024x1xi32>
      %eq3A_416 = vector.broadcast %broadcast_in_dim3A_415 : vector<1024x1xi32> to vector<1024x1024xi32>
      %eq3A_417 = arith.cmpi eq, %iota3A_258, %eq3A_416 : vector<1024x1024xi32>
      %jit3A_418 = arith.constant 1.000000e+30 : f32
      %broadcast_in_dim3A_419 = vector.broadcast %jit3A_418 : f32 to vector<1024x1024xf32>
      %select_n3A_420 = arith.select %eq3A_417, %concatenate3A_257, %broadcast_in_dim3A_419 : vector<1024x1024xi1>, vector<1024x1024xf32>
      %reduce_min3A_421 = arith.constant dense<0x7F800000> : vector<1024xf32>
      %reduce_min3A_422 = vector.multi_reduction <minimumf>, %select_n3A_420, %reduce_min3A_421 [1] : vector<1024x1024xf32> to vector<1024xf32>
      %broadcast_in_dim3A_423 = vector.shape_cast %reduce_min3A_422 : vector<1024xf32> to vector<1024x1xf32>
      %eq3A_424 = arith.constant 5 : i32
      %eq3A_425 = vector.broadcast %eq3A_424 : i32 to vector<1024x16xi32>
      %eq3A_426 = arith.cmpi eq, %iota3A_259, %eq3A_425 : vector<1024x16xi32>
      %convert_element_type3A_427 = arith.fptosi %broadcast_in_dim3A_423 : vector<1024x1xf32> to vector<1024x1xi32>
      %broadcast_in_dim3A_428 = vector.shape_cast %convert_element_type3A_427 : vector<1024x1xi32> to vector<1024x1xi32>
      %broadcast_in_dim3A_429 = vector.broadcast %broadcast_in_dim3A_428 : vector<1024x1xi32> to vector<1024x16xi32>
      %select_n3A_430 = arith.select %eq3A_426, %broadcast_in_dim3A_429, %select_n3A_401 : vector<1024x16xi1>, vector<1024x16xi32>
      %jit3A_431 = arith.constant 1.000000e+30 : f32
      %broadcast_in_dim3A_432 = vector.broadcast %jit3A_431 : f32 to vector<1024x1024xf32>
      %select_n3A_433 = arith.select %eq3A_417, %broadcast_in_dim3A_432, %select_n3A_404 : vector<1024x1024xi1>, vector<1024x1024xf32>
      %reduce_min3A_434 = arith.constant dense<0x7F800000> : vector<1024xf32>
      %reduce_min3A_435 = vector.multi_reduction <minimumf>, %select_n3A_433, %reduce_min3A_434 [1] : vector<1024x1024xf32> to vector<1024xf32>
      %broadcast_in_dim3A_436 = vector.shape_cast %reduce_min3A_435 : vector<1024xf32> to vector<1024x1xf32>
      %eq3A_437 = vector.broadcast %broadcast_in_dim3A_436 : vector<1024x1xf32> to vector<1024x1024xf32>
      %eq3A_438 = arith.cmpf oeq, %select_n3A_433, %eq3A_437 : vector<1024x1024xf32>
      %jit3A_439 = arith.constant 1073741824 : i32
      %broadcast_in_dim3A_440 = vector.broadcast %jit3A_439 : i32 to vector<1024x1024xi32>
      %select_n3A_441 = arith.select %eq3A_438, %iota3A_258, %broadcast_in_dim3A_440 : vector<1024x1024xi1>, vector<1024x1024xi32>
      %reduce_min3A_442 = arith.constant dense<2147483647> : vector<1024xi32>
      %reduce_min3A_443 = vector.multi_reduction <minsi>, %select_n3A_441, %reduce_min3A_442 [1] : vector<1024x1024xi32> to vector<1024xi32>
      %broadcast_in_dim3A_444 = vector.shape_cast %reduce_min3A_443 : vector<1024xi32> to vector<1024x1xi32>
      %eq3A_445 = vector.broadcast %broadcast_in_dim3A_444 : vector<1024x1xi32> to vector<1024x1024xi32>
      %eq3A_446 = arith.cmpi eq, %iota3A_258, %eq3A_445 : vector<1024x1024xi32>
      %jit3A_447 = arith.constant 1.000000e+30 : f32
      %broadcast_in_dim3A_448 = vector.broadcast %jit3A_447 : f32 to vector<1024x1024xf32>
      %select_n3A_449 = arith.select %eq3A_446, %concatenate3A_257, %broadcast_in_dim3A_448 : vector<1024x1024xi1>, vector<1024x1024xf32>
      %reduce_min3A_450 = arith.constant dense<0x7F800000> : vector<1024xf32>
      %reduce_min3A_451 = vector.multi_reduction <minimumf>, %select_n3A_449, %reduce_min3A_450 [1] : vector<1024x1024xf32> to vector<1024xf32>
      %broadcast_in_dim3A_452 = vector.shape_cast %reduce_min3A_451 : vector<1024xf32> to vector<1024x1xf32>
      %eq3A_453 = arith.constant 6 : i32
      %eq3A_454 = vector.broadcast %eq3A_453 : i32 to vector<1024x16xi32>
      %eq3A_455 = arith.cmpi eq, %iota3A_259, %eq3A_454 : vector<1024x16xi32>
      %convert_element_type3A_456 = arith.fptosi %broadcast_in_dim3A_452 : vector<1024x1xf32> to vector<1024x1xi32>
      %broadcast_in_dim3A_457 = vector.shape_cast %convert_element_type3A_456 : vector<1024x1xi32> to vector<1024x1xi32>
      %broadcast_in_dim3A_458 = vector.broadcast %broadcast_in_dim3A_457 : vector<1024x1xi32> to vector<1024x16xi32>
      %select_n3A_459 = arith.select %eq3A_455, %broadcast_in_dim3A_458, %select_n3A_430 : vector<1024x16xi1>, vector<1024x16xi32>
      %jit3A_460 = arith.constant 1.000000e+30 : f32
      %broadcast_in_dim3A_461 = vector.broadcast %jit3A_460 : f32 to vector<1024x1024xf32>
      %select_n3A_462 = arith.select %eq3A_446, %broadcast_in_dim3A_461, %select_n3A_433 : vector<1024x1024xi1>, vector<1024x1024xf32>
      %reduce_min3A_463 = arith.constant dense<0x7F800000> : vector<1024xf32>
      %reduce_min3A_464 = vector.multi_reduction <minimumf>, %select_n3A_462, %reduce_min3A_463 [1] : vector<1024x1024xf32> to vector<1024xf32>
      %broadcast_in_dim3A_465 = vector.shape_cast %reduce_min3A_464 : vector<1024xf32> to vector<1024x1xf32>
      %eq3A_466 = vector.broadcast %broadcast_in_dim3A_465 : vector<1024x1xf32> to vector<1024x1024xf32>
      %eq3A_467 = arith.cmpf oeq, %select_n3A_462, %eq3A_466 : vector<1024x1024xf32>
      %jit3A_468 = arith.constant 1073741824 : i32
      %broadcast_in_dim3A_469 = vector.broadcast %jit3A_468 : i32 to vector<1024x1024xi32>
      %select_n3A_470 = arith.select %eq3A_467, %iota3A_258, %broadcast_in_dim3A_469 : vector<1024x1024xi1>, vector<1024x1024xi32>
      %reduce_min3A_471 = arith.constant dense<2147483647> : vector<1024xi32>
      %reduce_min3A_472 = vector.multi_reduction <minsi>, %select_n3A_470, %reduce_min3A_471 [1] : vector<1024x1024xi32> to vector<1024xi32>
      %broadcast_in_dim3A_473 = vector.shape_cast %reduce_min3A_472 : vector<1024xi32> to vector<1024x1xi32>
      %eq3A_474 = vector.broadcast %broadcast_in_dim3A_473 : vector<1024x1xi32> to vector<1024x1024xi32>
      %eq3A_475 = arith.cmpi eq, %iota3A_258, %eq3A_474 : vector<1024x1024xi32>
      %jit3A_476 = arith.constant 1.000000e+30 : f32
      %broadcast_in_dim3A_477 = vector.broadcast %jit3A_476 : f32 to vector<1024x1024xf32>
      %select_n3A_478 = arith.select %eq3A_475, %concatenate3A_257, %broadcast_in_dim3A_477 : vector<1024x1024xi1>, vector<1024x1024xf32>
      %reduce_min3A_479 = arith.constant dense<0x7F800000> : vector<1024xf32>
      %reduce_min3A_480 = vector.multi_reduction <minimumf>, %select_n3A_478, %reduce_min3A_479 [1] : vector<1024x1024xf32> to vector<1024xf32>
      %broadcast_in_dim3A_481 = vector.shape_cast %reduce_min3A_480 : vector<1024xf32> to vector<1024x1xf32>
      %eq3A_482 = arith.constant 7 : i32
      %eq3A_483 = vector.broadcast %eq3A_482 : i32 to vector<1024x16xi32>
      %eq3A_484 = arith.cmpi eq, %iota3A_259, %eq3A_483 : vector<1024x16xi32>
      %convert_element_type3A_485 = arith.fptosi %broadcast_in_dim3A_481 : vector<1024x1xf32> to vector<1024x1xi32>
      %broadcast_in_dim3A_486 = vector.shape_cast %convert_element_type3A_485 : vector<1024x1xi32> to vector<1024x1xi32>
      %broadcast_in_dim3A_487 = vector.broadcast %broadcast_in_dim3A_486 : vector<1024x1xi32> to vector<1024x16xi32>
      %select_n3A_488 = arith.select %eq3A_484, %broadcast_in_dim3A_487, %select_n3A_459 : vector<1024x16xi1>, vector<1024x16xi32>
      %jit3A_489 = arith.constant 1.000000e+30 : f32
      %broadcast_in_dim3A_490 = vector.broadcast %jit3A_489 : f32 to vector<1024x1024xf32>
      %select_n3A_491 = arith.select %eq3A_475, %broadcast_in_dim3A_490, %select_n3A_462 : vector<1024x1024xi1>, vector<1024x1024xf32>
      %reduce_min3A_492 = arith.constant dense<0x7F800000> : vector<1024xf32>
      %reduce_min3A_493 = vector.multi_reduction <minimumf>, %select_n3A_491, %reduce_min3A_492 [1] : vector<1024x1024xf32> to vector<1024xf32>
      %broadcast_in_dim3A_494 = vector.shape_cast %reduce_min3A_493 : vector<1024xf32> to vector<1024x1xf32>
      %eq3A_495 = vector.broadcast %broadcast_in_dim3A_494 : vector<1024x1xf32> to vector<1024x1024xf32>
      %eq3A_496 = arith.cmpf oeq, %select_n3A_491, %eq3A_495 : vector<1024x1024xf32>
      %jit3A_497 = arith.constant 1073741824 : i32
      %broadcast_in_dim3A_498 = vector.broadcast %jit3A_497 : i32 to vector<1024x1024xi32>
      %select_n3A_499 = arith.select %eq3A_496, %iota3A_258, %broadcast_in_dim3A_498 : vector<1024x1024xi1>, vector<1024x1024xi32>
      %reduce_min3A_500 = arith.constant dense<2147483647> : vector<1024xi32>
      %reduce_min3A_501 = vector.multi_reduction <minsi>, %select_n3A_499, %reduce_min3A_500 [1] : vector<1024x1024xi32> to vector<1024xi32>
      %broadcast_in_dim3A_502 = vector.shape_cast %reduce_min3A_501 : vector<1024xi32> to vector<1024x1xi32>
      %eq3A_503 = vector.broadcast %broadcast_in_dim3A_502 : vector<1024x1xi32> to vector<1024x1024xi32>
      %eq3A_504 = arith.cmpi eq, %iota3A_258, %eq3A_503 : vector<1024x1024xi32>
      %jit3A_505 = arith.constant 1.000000e+30 : f32
      %broadcast_in_dim3A_506 = vector.broadcast %jit3A_505 : f32 to vector<1024x1024xf32>
      %select_n3A_507 = arith.select %eq3A_504, %concatenate3A_257, %broadcast_in_dim3A_506 : vector<1024x1024xi1>, vector<1024x1024xf32>
      %reduce_min3A_508 = arith.constant dense<0x7F800000> : vector<1024xf32>
      %reduce_min3A_509 = vector.multi_reduction <minimumf>, %select_n3A_507, %reduce_min3A_508 [1] : vector<1024x1024xf32> to vector<1024xf32>
      %broadcast_in_dim3A_510 = vector.shape_cast %reduce_min3A_509 : vector<1024xf32> to vector<1024x1xf32>
      %eq3A_511 = arith.constant 8 : i32
      %eq3A_512 = vector.broadcast %eq3A_511 : i32 to vector<1024x16xi32>
      %eq3A_513 = arith.cmpi eq, %iota3A_259, %eq3A_512 : vector<1024x16xi32>
      %convert_element_type3A_514 = arith.fptosi %broadcast_in_dim3A_510 : vector<1024x1xf32> to vector<1024x1xi32>
      %broadcast_in_dim3A_515 = vector.shape_cast %convert_element_type3A_514 : vector<1024x1xi32> to vector<1024x1xi32>
      %broadcast_in_dim3A_516 = vector.broadcast %broadcast_in_dim3A_515 : vector<1024x1xi32> to vector<1024x16xi32>
      %select_n3A_517 = arith.select %eq3A_513, %broadcast_in_dim3A_516, %select_n3A_488 : vector<1024x16xi1>, vector<1024x16xi32>
      %swap3A_518 = arith.constant 0 : index
      %swap3A_519 = arith.constant 0 : index
      %swap3A_520 = vector.load %arg5[%swap3A_518, %swap3A_519] : memref<1024x16xi32, #tpu.memory_space<vmem>>, vector<1024x16xi32>
      tpu.vector_store %arg5[%swap3A_518, %swap3A_519], %select_n3A_517 {strides = array<i32>} : memref<1024x16xi32, #tpu.memory_space<vmem>>, vector<1024x16xi32>,
    } else {
    }
    return
  }
  func.func @transform_0(%arg0: i32) -> (i32, i32) {
    %c0_i32 = arith.constant 0 : i32
    %c0_i32_0 = arith.constant 0 : i32
    %c0_i32_1 = arith.constant 0 : i32
    return %c0_i32, %c0_i32_0 : i32, i32
  }
  func.func @transform_1(%arg0: i32) -> (i32, i32) {
    %c0_i32 = arith.constant 0 : i32
    %c0_i32_0 = arith.constant 0 : i32
    return %arg0, %c0_i32 : i32, i32
  }
  func.func @transform_2(%arg0: i32) -> (i32, i32) {
    %c0_i32 = arith.constant 0 : i32
    %c0_i32_0 = arith.constant 0 : i32
    %c0_i32_1 = arith.constant 0 : i32
    return %c0_i32, %c0_i32_0 : i32, i32
  }
  func.func @transform_3(%arg0: i32) -> (i32, i32, i32) {
    %c0_i32 = arith.constant 0 : i32
    %c0_i32_0 = arith.constant 0 : i32
    %c0_i32_1 = arith.constant 0 : i32
    return %arg0, %c0_i32, %c0_i32_0 : i32, i32, i32
  }
  func.func @transform_4(%arg0: i32) -> (i32, i32) {
    %c0_i32 = arith.constant 0 : i32
    %c0_i32_0 = arith.constant 0 : i32
    %c0_i32_1 = arith.constant 0 : i32
    return %c0_i32, %c0_i32_0 : i32, i32
  }
}

</mosaic_0001>

<sc_bundles>
// kernel: kernel.5.cloned.1.call-start
scs
__scs_entry_jumppad:
0x0: {  	(pc) =	sbr.rel $0x88, $3  }
0x1: {  	(tag) =	ssettag $0x0;
	lr =	simm.s32 $0x1  }
0x2: {  	[smem:$0x3F9E] =	sst lr;
	_ =	strace $0xD0000000  }
0x3: {  	_ = 	snop  }
0x4: {  	_ = 	snop  }
0x5: {  	_ = 	snop  }
0x6: {  	_ = 	snop  }
0x7: {  	_ = 	snop  }
__scs_overlays_trampoline_lowered:
0x8: {  	[smem:$0x3FAD] =	sst s0  }
0x9: {  	[smem:$0x3FAE] =	sst s1  }
0xa: {  	[smem:$0x3FAF] =	sst s2  }
0xb: {  	[smem:$0x3FB0] =	sst s3  }
0xc: {  	[smem:$0x3FB1] =	sst s4  }
0xd: {  	[smem:$0x3FB2] =	sst s5  }
0xe: {  	[smem:$0x3FB3] =	sst s6  }
0xf: {  	[smem:$0x3FB4] =	sst s7  }
0x10: {  	[smem:$0x3FB5] =	sst s8  }
0x11: {  	[smem:$0x3FB6] =	sst s9;
	s0 =	simm.s32 @!p0 $0x0  }
0x12: {  	s1 =	sld [smem:$0x3F9C];
	s0 =	simm.s32 @p0 $0x1  }
0x13: {  	[smem:$0x3FB7] =	sst s0;
	s0 =	simm.s32 @!p1 $0x0  }
0x14: {  	s2 =	sld [smem:$0x3F9B];
	s0 =	simm.s32 @p1 $0x1  }
0x15: {  	[smem:$0x3FB8] =	sst s0;
	s0 =	simm.s32 @!p2 $0x0  }
0x16: {  	s3 =	sld [smem:$0x3FDB];
	s0 =	simm.s32 @p2 $0x1  }
0x17: {  	s4 =	simm.s32 $0x1BF5;
	[smem:$0x3FBA] =	sst s0  }
0x18: {  	s0 =	sld [smem:$0x3F9D];
	_ =	swait.ge [sflag:s4], $0x0  }
0x19: {  	s7 =	sld [smem:$0x3F9E]  }
0x1a: {  	s8 =	sadd.s32 $0xFFFFE003, lr  }
0x1b: {  	s9 =	sadd.s32 $0xFFFFFEF7, lr;
	s5 =	simm.s32 $0xFFFFFFFF;
	p2 =	slt.u32 s8, $0xFFFFF086  }
0x1c: {  	p1 =	slt.u32 s9, $0xF7A;
	s5 =	simm.s32 @!p2 $0x0  }
0x1d: {  	s5 =	simm.s32 @p1 $0x1;
	p0 =	seq.s32 s7, s2  }
0x1e: {  	s7 =	smul.u32 @!p0 $0xF7A, s2;
	p2 =	seq.s32 @!p0 s5, $0x0  }
0x1f: {  	s9 =	smul.u32 $0xF7A, s1;
	s8 =	simm.s32 @!p0 $0x1BF5;
	p2 =	por !p2, p0  }
0x20: {  	[sflag:s8] =	ssyncset.s32 @!p0 $0xFFFFF086;
	s6 =	sadd.s32 @!p0 s3, s7;
	s7 =	simm.s32 @!p0 $0x108  }
0x21: {  	s3 =	sadd.s32 s3, s9;
	s6 =	sadd.s32 @!p0 $0x88, s6;
	s7 =	simm.s32 @p2 $0x1082  }
0x22: {  	[simem:s7], [sflag:s8] =	dma.local @!p0 [hbm:s6], $0xF7A  }
0x23: {  	s9 =	sor.u32 $0xD0000000, s2;
	s6 =	simm.s32 $0x108;
	_ =	swait.ge @!p0 [sflag:s8], $0x0  }
0x24: {  	s3 =	sadd.s32 $0x88, s3;
	s6 =	simm.s32 @!p1 $0x1082;
	[sflag:s4] =	ssyncset.s32 $0xFFFFF086  }
0x25: {  	[simem:s6], [sflag:s4] =	dma.local [hbm:s3], $0xF7A  }
0x26: {  	[smem:$0x3F9E] =	sst s1;
	(tag) =	ssettag s2;
	_ =	strace s9  }
0x27: {  	s1 =	sld [smem:$0x3FAE]  }
0x28: {  	s2 =	sld [smem:$0x3FAF]  }
0x29: {  	s4 =	sld [smem:$0x3FB1]  }
0x2a: {  	p0 =	seq.s32 s5, $0x0;
	s5 =	sld [smem:$0x3FB2]  }
0x2b: {  	s6 =	sld [smem:$0x3FB3]  }
0x2c: {  	s7 =	sld [smem:$0x3FB4]  }
0x2d: {  	s3 =	simm.s32 $0x108;
	s8 =	sld [smem:$0x3FB5]  }
0x2e: {  	s3 =	simm.s32 @!p0 $0x1082;
	s9 =	sld [smem:$0x3FB6]  }
0x2f: {  	lr =	sadd.s32 s0, s3;
	s0 =	sld [smem:$0x3FAD]  }
0x30: {  	s3 =	sld [smem:$0x3FB0]  }
0x31: {  	[smem:$0x3FB9] =	sst s10  }
0x32: {  	s10 =	sld [smem:$0x3FB7];
	_ =	sdelay $0x3  }
0x33: {  	p0 =	seq.s32 s10, $0x1;
	s10 =	sld [smem:$0x3FB9];
	_ =	sdelay $0x3  }
0x34: {  	[smem:$0x3FB9] =	sst s10  }
0x35: {  	s10 =	sld [smem:$0x3FB8];
	_ =	sdelay $0x3  }
0x36: {  	p1 =	seq.s32 s10, $0x1;
	s10 =	sld [smem:$0x3FB9];
	_ =	sdelay $0x3  }
0x37: {  	[smem:$0x3FB9] =	sst s10  }
0x38: {  	s10 =	sld [smem:$0x3FBA]  }
0x39: {  	_ = 	snop;
	(pc) =	sbr.ind lr, $3  }
0x3a: {  	_ = 	snop  }
0x3b: {  	_ = 	snop  }
0x3c: {  	p2 =	seq.s32 s10, $0x1;
	s10 =	sld [smem:$0x3FB9]  }
0x3d: {  	_ =	shalt  }
0x3e: {  	_ =	shalt  }
0x3f: {  	_ =	shalt  }
0x40: {  	_ =	shalt  }
0x41: {  	_ =	shalt  }
0x42: {  	_ =	shalt  }
0x43: {  	_ =	shalt  }
0x44: {  	_ =	shalt  }
0x45: {  	_ =	shalt  }
0x46: {  	_ =	shalt  }
0x47: {  	_ =	shalt  }
0x48: {  	_ =	shalt  }
0x49: {  	_ =	shalt  }
0x4a: {  	_ =	shalt  }
0x4b: {  	_ =	shalt  }
0x4c: {  	_ =	shalt  }
0x4d: {  	_ =	shalt  }
0x4e: {  	_ =	shalt  }
0x4f: {  	_ =	shalt  }
0x50: {  	_ =	shalt  }
0x51: {  	_ =	shalt  }
0x52: {  	_ =	shalt  }
0x53: {  	_ =	shalt  }
0x54: {  	_ =	shalt  }
0x55: {  	_ =	shalt  }
0x56: {  	_ =	shalt  }
0x57: {  	_ =	shalt  }
0x58: {  	_ =	shalt  }
0x59: {  	_ =	shalt  }
0x5a: {  	_ =	shalt  }
0x5b: {  	_ =	shalt  }
0x5c: {  	_ =	shalt  }
0x5d: {  	_ =	shalt  }
0x5e: {  	_ =	shalt  }
0x5f: {  	_ =	shalt  }
0x60: {  	_ =	shalt  }
0x61: {  	_ =	shalt  }
0x62: {  	_ =	shalt  }
0x63: {  	_ =	shalt  }
0x64: {  	_ =	shalt  }
0x65: {  	_ =	shalt  }
0x66: {  	_ =	shalt  }
0x67: {  	_ =	shalt  }
0x68: {  	_ =	shalt  }
0x69: {  	_ =	shalt  }
0x6a: {  	_ =	shalt  }
0x6b: {  	_ =	shalt  }
0x6c: {  	_ =	shalt  }
0x6d: {  	_ =	shalt  }
0x6e: {  	_ =	shalt  }
0x6f: {  	_ =	shalt  }
0x70: {  	_ =	shalt  }
0x71: {  	_ =	shalt  }
0x72: {  	_ =	shalt  }
0x73: {  	_ =	shalt  }
0x74: {  	_ =	shalt  }
0x75: {  	_ =	shalt  }
0x76: {  	_ =	shalt  }
0x77: {  	_ =	shalt  }
0x78: {  	_ =	shalt  }
0x79: {  	_ =	shalt  }
0x7a: {  	_ =	shalt  }
0x7b: {  	_ =	shalt  }
0x7c: {  	_ =	shalt  }
0x7d: {  	_ =	shalt  }
0x7e: {  	_ =	shalt  }
0x7f: {  	_ =	shalt  }
0x80: {  	_ =	shalt  }
0x81: {  	_ =	shalt  }
0x82: {  	_ =	shalt  }
0x83: {  	_ =	shalt  }
0x84: {  	_ =	shalt  }
0x85: {  	_ =	shalt  }
0x86: {  	_ =	shalt  }
0x87: {  	_ =	shalt  }
.Lfunc_end0:
.L_simem_size_0:
called_computation_lowered:
.L_overlay_start_0:
0x88: {  	s2 =	sld [smem:$0x3FD9]  }
0x89: {  	s3 =	sld [smem:$0x3FFE];
	_ =	sdelay $0x1  }
0x8a: {  	s1 =	srdreg.scid  }
0x8b: {  	s0 =	sand.u32 $0x1, s1  }
0x8c: {  	s17 =	sshll.u32 s0, $0xA;
	s2 =	sadd.s32 s3, s2  }
0x8d: {  	s2 =	sadd.s32 s2, s17  }
0x8e: {  	[smem:$0x3FC5] =	sst s2  }
0x8f: {  	_ = 	snop  }
0x90: {  	s2 =	sld [smem:$0x3FC8];
	(tm) =	ssettm $0x1  }
0x91: {  	s18 =	sld [smem:$0x3FFB];
	_ =	sdelay $0x3  }
0x92: {  	_ =	strace s18  }
0x93: {  	s3 =	sld [smem:$0x3FFC];
	_ =	sdelay $0x3  }
0x94: {  	_ =	strace s3  }
0x95: {  	s3 =	sld [smem:$0x3FFD];
	_ =	sdelay $0x3  }
0x96: {  	_ =	strace s3  }
0x97: {  	_ =	strace $0x8FFFFFFF  }
0x98: {  	s19 =	sld [smem:$0x3FDB];
	_ =	sdelay $0x1  }
0x99: {  	s4 =	simm.s32 $_scs_section_size  }
0x9a: {  	s5 =	simm.s32 $_size__tile_overlayer_lowered;
	s6 =	simm.s32 $_tile_overlayer_lowered  }
0x9b: {  	s22 =	simm.s32 $0x1BFF;
	s21 =	sshll.u32 s6, $0x1;
	s3 =	sadd.s32 s4, s19  }
0x9c: {  	s7 =	simm.s32 $0x0;
	s20 =	sshll.u32 s5, $0x1;
	s5 =	sadd.s32 s21, s3  }
0x9d: {  	[timem:s7], [sflag:s22] =	dma.local [hbm:s5], s20  }
0x9e: {  	_ =	swait.ge [sflag:s22], s20  }
0x9f: {  	s4 =	ssub.s32 $0x0, s20;
	[sflag:s22] =	ssyncset.done $0x0  }
0xa0: {  	[sflag:s22] =	ssyncadd.s32 s4;
	_ =	sdelay $0x1  }
0xa1: {  	s23 =	simm.s32 $0x1B8B  }
0xa2: {  	_ =	swait.ge [sflag:s23], $0x1  }
0xa3: {  	[sflag:s23] =	ssyncset.done $0x0  }
0xa4: {  	s25 =	simm.s32 $0x1B8E;
	s24 =	sld [smem:$0x3FFE];
	[sflag:s23] =	ssyncadd.s32 $0xFFFFFFFF  }
0xa5: {  	s26 =	simm.s32 $execute0_lowered;
	[smem:$0x3FD2] =	sst s25  }
0xa6: {  	s5 =	sshll.u32 s26, $0x1;
	_ =	strace $0x80000046;
	[dreg:$0x1] =	wrdreg $0xFFFFFFFF  }
0xa7: {  	s28 =	simm.s32 $_size_execute0_lowered;
	s3 =	sadd.s32 s3, s5;
	[dreg:$0x0] =	wrdreg $0x0  }
0xa8: {  	s5 =	sshll.u32 s28, $0x1;
	[dreg:$0x2] =	wrdreg s3  }
0xa9: {  	[dreg:$0x3] =	wrdreg s5  }
0xaa: {  	[dreg:$0x4] =	wrdreg $0xC0  }
0xab: {  	_ =	task [dreg:s7], $0x5FFFF  }
0xac: {  	[dreg:$0x1] =	wrdreg $0xFFFFFFFF  }
0xad: {  	[dreg:$0x0] =	wrdreg $0x60  }
0xae: {  	[dreg:$0x2] =	wrdreg s24  }
0xaf: {  	[dreg:$0x3] =	wrdreg s2  }
0xb0: {  	[dreg:$0x4] =	wrdreg $0x9  }
0xb1: {  	_ =	task.clear_ibuf [dreg:s7], $0x5FFFF;
	_ =	strace $0x90000046  }
0xb2: {  	s29 =	simm.s32 $0x9;
	_ =	strace $0x80000048  }
0xb3: {  	_ =	swait.ge [sflag:s29], $0x1  }
0xb4: {  	[sflag:s29] =	ssyncadd.s32 $0xFFFFFFFF  }
0xb5: {  	_ =	strace $0x90000048  }
0xb6: {  	_ =	sfence  }
0xb7: {  	s30 =	sld [smem:$0x0];
	_ =	sdelay $0x2  }
0xb8: {  	s31 =	sshll.u32 s1, $0xD;
	s1 =	sshrl.u32 s1, $0x2  }
0xb9: {  	s3 =	sand.u32 $0x4000, s31;
	s1 =	sadd.s32 s1, s30  }
0xba: {  	s0 =	sor.u32 s3, s0;
	s1 =	sshll.u32 s1, $0x11  }
0xbb: {  	s0 =	sor.u32 s1, s0  }
0xbc: {  	s0 =	sadd.s32 $0x8F2B, s0  }
0xbd: {  	[sflag:s0] =	ssyncadd.remote.s32 $0x1  }
0xbe: {  	_ =	sfence.sel $0xFFFF  }
0xbf: {  	[dreg:$0x0] =	wrdreg $0xFFFFFFFF;
	(pc) =	sbr.abs _section_cstart, $3  }
0xc0: {  	[dreg:$0x1] =	wrdreg $0xFFFFFFFF  }
0xc1: {  	_ =	task.clear_ibuf [dreg:s7], $0x2FFFF;
	_ =	strace $0x9FFFFFFF  }
0xc2: {  	(tm) =	ssettm $0x7FFFFFFF  }
0xc3: {  	_ =	shalt  }
tec
execute0_lowered:
.L_overlay_start_1:
0x0: {  	(tag) =	ssettag $0x1  }
0x1: {  	s4 =	rddreg [dreg:$0x0]  }
0x2: {  	s2 =	rddreg [dreg:$0x1];
	s3 =	srdreg.scid  }
0x3: {  	s0 =	rddreg [dreg:$0x2];
	s1 =	stileid.u32;
	s6 =	sand.u32 $0x1, s3  }
0x4: {  	s3 =	simm.s32 $0x0;
	s5 =	sshll.u32 s1, $0x7;
	s7 =	sshll.u32 s6, $0x6  }
0x5: {  	[smem:$0x7FF] =	sst s3;
	s8 =	ssub.s32 $0x2, s6;
	s5 =	sor.u32 s7, s5  }
0x6: {  	_ =	strace $0x80000047;
	s5 =	sadd.s32 s4, s5;
	s4 =	simm.s32 $0x2  }
0x7: {  	[tilespmem:s3], [sflag:$0x2] =	stream.linear.gather [hbm4b:s5+s3], $0x200, $0x38;
	[tilespmem:$0x400] =	vst v63  }
0x8: {  	s9 =	sshrl.u32 s8, $0x1;
	_ =	swait.ge [sflag:s4], $0x200  }
0x9: {  	s6 =	simm.s32 $0x200;
	s9 =	ssub.s32 s8, s9;
	[sflag:s4] =	ssyncset.done $0x0  }
0xa: {  	s7 =	simm.s32 $0x1;
	s9 =	smax.u32 s9, $0x1;
	[sflag:s4] =	ssyncadd.s32 $0xFFFFFE00  }
0xb: {  	[tilespmem:s6], [sflag:$0x1] =	stream.indirect.gather [hbm4b:s2+s6], $0x1, s3, s6, $0xb8;
	[tilespmem:$0x400] =	vst v63  }
0xc: {  	p0 =	sne.s32 s9, $0x1;
	_ =	swait.ge [sflag:s7], $0x200  }
.Ltmp0:
0xd: {  	[sflag:s7] =	ssyncset.done $0x0;
	(pc) =	sbr.rel @!p0 .LBB2_2-.Ltmp0, $4  }
0xe: {  	s8 =	sadd.s32 $0x800, s5;
	[sflag:s7] =	ssyncadd.s32 $0xFFFFFE00  }
0xf: {  	[hbm4b:s8+s3] =	stream.linear.scatter [tilespmem:s6], [sflag:$0x2], $0x200, $0x38;
	[tilespmem:$0x400] =	vst v63  }
0x10: {  	_ =	swait.ge [sflag:s4], $0x200  }
0x11: {  	s9 =	sadd.s32 $0xFFFFFFFF, s9;
	[sflag:s4] =	ssyncset.done $0x0  }
.LBB2_1:
0x12: {  	p0 =	sne.s32 s9, $0x1;
	s9 =	sadd.s32 $0xFFFFFFFF, s9;
	[sflag:s4] =	ssyncadd.s32 $0xFFFFFE00  }
0x13: {  	[tilespmem:s3], [sflag:$0x2] =	stream.linear.gather [hbm4b:s5+s3], $0x200, $0x38;
	[tilespmem:$0x400] =	vst v63  }
0x14: {  	_ =	swait.ge [sflag:s4], $0x200  }
0x15: {  	[sflag:s4] =	ssyncset.done $0x0  }
0x16: {  	[sflag:s4] =	ssyncadd.s32 $0xFFFFFE00  }
0x17: {  	[tilespmem:s6], [sflag:$0x1] =	stream.indirect.gather [hbm4b:s2+s6], $0x1, s3, s6, $0xb8;
	[tilespmem:$0x400] =	vst v63  }
0x18: {  	_ =	swait.ge [sflag:s7], $0x200  }
.Ltmp1:
0x19: {  	[sflag:s7] =	ssyncset.done $0x0;
	(pc) =	sbr.rel @p0 .LBB2_1-.Ltmp1, $4  }
0x1a: {  	[sflag:s7] =	ssyncadd.s32 $0xFFFFFE00  }
0x1b: {  	[hbm4b:s8+s3] =	stream.linear.scatter [tilespmem:s6], [sflag:$0x2], $0x200, $0x38;
	[tilespmem:$0x400] =	vst v63  }
0x1c: {  	_ =	swait.ge [sflag:s4], $0x200  }
0x1d: {  	[sflag:s4] =	ssyncset.done $0x0  }
.LBB2_2:
0x1e: {  	[sflag:s4] =	ssyncadd.s32 $0xFFFFFE00  }
0x1f: {  	_ =	sfence.sel $0x180000  }
0x20: {  	[bflag:$0x0] =	sbarrier.arrive $0xFFFF  }
0x21: {  	p0 =	sne.s32 s1, $0x0;
	_ =	strace $0x90000047  }
0x22: {  	s0 =	sadd.s32 @!p0 $0x100000, s0;
	[bflag:$0x2] =	sbarrier.arrive $0xFFFF  }
0x23: {  	[sflag:s0] =	ssyncadd.tile.s32 @!p0 $0x1;
	_ =	shalt  }
.Lfunc_end2:
_tile_overlayer_lowered:
.L_overlay_start_2:
0x24: {  	(tag) =	ssettag $0x2  }
0x25: {  	s0 =	rddreg [dreg:$0x0];
	s2 =	stileid.u32  }
0x26: {  	s1 =	rddreg [dreg:$0x1];
	p0 =	sne.s32 s2, $0x0  }
0x27: {  	s3 =	rddreg [dreg:$0x2];
	[bflag:$0x3] =	sbarrier.arrive $0xFFFF;
	s2 =	simm.s32 @!p0 $0x1C02  }
0x28: {  	[timem:s3], [sflag:s2] =	dma.local @!p0 [hbm:s0], s1  }
0x29: {  	s0 =	simm.s32 @!p0 $0x2  }
0x2a: {  	_ =	swait.ge @!p0 [sflag:s0], s1  }
0x2b: {  	s1 =	ssub.s32 @!p0 $0x0, s1;
	[sflag:s0] =	ssyncset.done @!p0 $0x0  }
0x2c: {  	[sflag:s0] =	ssyncadd.s32 @!p0 s1  }
0x2d: {  	[bflag:$0x3] =	sbarrier.arrive $0xFFFF  }
0x2e: {  	_ =	shalt  }

</sc_bundles>
